<compile_context>
chip_gen: v7x
topology: tpu7x:2x2x1
jax: 0.10.2.dev20260603
libtpu: 0.0.44.dev20260713+nightly
codegen_flags: <defaults>
</compile_context>

<pallas_src>
import functools

import jax
import jax.numpy as jnp
from jax import lax
from jax.experimental import pallas as pl
from jax.experimental.pallas import tpu as pltpu
from jax.experimental.pallas import tpu_sc as plsc

N = 16384
D = 64
KNN = 10
CHUNK = 128
NCHUNK = N // CHUNK
RB = 256
NRB = N // RB
RT = 1024
NRT = N // RT

NEG_INF = float("-inf")


def _norm_body(x_ref, o_ref):
    x = x_ref[...]
    n = jnp.sqrt(jnp.sum(x * x, axis=-1, keepdims=True))
    o_ref[...] = x / n


def _sim_body(a_ref, xn_ref, sim_ref, cid_ref, gidx_ref):
    pid = pl.program_id(0)
    a = a_ref[...]
    xn = xn_ref[...]
    s = lax.dot_general(
        a, xn, dimension_numbers=(((1,), (1,)), ((), ())),
        preferred_element_type=jnp.float32)
    for c in range(NCHUNK):
        sim_ref[c, :, :] = s[:, c * CHUNK:(c + 1) * CHUNK]
    s3 = s.reshape(RB, NCHUNK, CHUNK)
    m = jnp.max(s3, axis=2)
    citer = lax.broadcasted_iota(jnp.int32, (RB, NCHUNK), 1)
    row = (lax.broadcasted_iota(jnp.int32, (RB, 1), 0) + pid * RB)
    cids = []
    gidxs = []
    for _ in range(KNN):
        mk = jnp.max(m, axis=1, keepdims=True)
        j = jnp.min(jnp.where(m >= mk, citer, NCHUNK), axis=1, keepdims=True)
        cids.append(j)
        gidxs.append(j * N + row)
        m = jnp.where(citer == j, NEG_INF, m)
    cid_ref[...] = jnp.concatenate(cids, axis=1)
    gidx_ref[...] = jnp.concatenate(gidxs, axis=1)


def _topk_body(g_ref, cid_ref, val_ref, ind_ref, lap_ref):
    v = jnp.concatenate([g_ref[j] for j in range(KNN)], axis=1)
    cid = cid_ref[...]
    cid3 = jnp.broadcast_to(cid[:, :, None], (RT, KNN, CHUNK))
    w = lax.broadcasted_iota(jnp.int32, (RT, KNN, CHUNK), 2)
    gcol = (cid3 * CHUNK + w).reshape(RT, KNN * CHUNK)
    vals = []
    inds = []
    for _ in range(KNN):
        mk = jnp.max(v, axis=1, keepdims=True)
        idx = jnp.min(jnp.where(v >= mk, gcol, N), axis=1, keepdims=True)
        vals.append(mk)
        inds.append(idx)
        v = jnp.where(gcol == idx, NEG_INF, v)
    val_ref[...] = jnp.concatenate(vals, axis=1)
    ind_ref[...] = jnp.concatenate(inds, axis=1)
    rs = jnp.float32(KNN) + jnp.float32(1e-07)
    rinv = jnp.power(rs, jnp.float32(-0.5))
    lap_ref[...] = jnp.full((RT, KNN), rinv * rinv, jnp.float32)


_norm_call = pl.pallas_call(
    _norm_body,
    out_shape=jax.ShapeDtypeStruct((N, D), jnp.float32),
)

_sim_call = pl.pallas_call(
    _sim_body,
    grid=(NRB,),
    compiler_params=pltpu.CompilerParams(vmem_limit_bytes=100 * 1024 * 1024),
    in_specs=[
        pl.BlockSpec((RB, D), lambda i: (i, 0)),
        pl.BlockSpec((N, D), lambda i: (0, 0)),
    ],
    out_specs=[
        pl.BlockSpec((NCHUNK, RB, CHUNK), lambda i: (0, i, 0)),
        pl.BlockSpec((RB, KNN), lambda i: (i, 0)),
        pl.BlockSpec((RB, KNN), lambda i: (i, 0)),
    ],
    out_shape=[
        jax.ShapeDtypeStruct((NCHUNK, N, CHUNK), jnp.float32),
        jax.ShapeDtypeStruct((N, KNN), jnp.int32),
        jax.ShapeDtypeStruct((N, KNN), jnp.int32),
    ],
)

_topk_call = pl.pallas_call(
    _topk_body,
    grid=(NRT,),
    compiler_params=pltpu.CompilerParams(vmem_limit_bytes=100 * 1024 * 1024),
    in_specs=[
        pl.BlockSpec((KNN, RT, CHUNK), lambda i: (0, i, 0)),
        pl.BlockSpec((RT, KNN), lambda i: (i, 0)),
    ],
    out_specs=[
        pl.BlockSpec((RT, KNN), lambda i: (i, 0)),
        pl.BlockSpec((RT, KNN), lambda i: (i, 0)),
        pl.BlockSpec((RT, KNN), lambda i: (i, 0)),
    ],
    out_shape=[
        jax.ShapeDtypeStruct((N, KNN), jnp.float32),
        jax.ShapeDtypeStruct((N, KNN), jnp.int32),
        jax.ShapeDtypeStruct((N, KNN), jnp.float32),
    ],
)


_NC = 2
_NS = 16
_NWORK = _NC * _NS
_B = N * KNN
_B_PER_W = _B // _NWORK
_GCH = 128
_NBUF = 4
_N_ITER = _B_PER_W // _GCH
_N_GRP = _N_ITER // _NBUF


@functools.cache
def _make_gather_kernel():
    mesh = plsc.VectorSubcoreMesh(core_axis_name="c", subcore_axis_name="s")

    @functools.partial(
        pl.kernel,
        mesh=mesh,
        out_type=jax.ShapeDtypeStruct((_B, CHUNK), jnp.float32),
        scratch_types=[
            pltpu.VMEM((_N_ITER, _GCH), jnp.int32),
            pltpu.VMEM((_NBUF * _GCH, CHUNK), jnp.float32),
            pltpu.SemaphoreType.DMA,
            pltpu.SemaphoreType.DMA,
        ],
    )
    def _gather_kernel(table_hbm, idx_hbm, out_hbm, idx_v, rows_v, sem_g, sem_w):
        wid = lax.axis_index("s") * _NC + lax.axis_index("c")
        base = wid * _B_PER_W
        pltpu.sync_copy(idx_hbm.at[pl.ds(wid * _N_ITER, _N_ITER)], idx_v)

        def body(g, carry):
            it0 = g * _NBUF
            cps = [
                pltpu.async_copy(
                    table_hbm.at[idx_v.at[it0 + b]],
                    rows_v.at[pl.ds(b * _GCH, _GCH)],
                    sem_g,
                )
                for b in range(_NBUF)
            ]
            wbs = []
            for b in range(_NBUF):
                cps[b].wait()
                wbs.append(pltpu.async_copy(
                    rows_v.at[pl.ds(b * _GCH, _GCH)],
                    out_hbm.at[pl.ds(base + (it0 + b) * _GCH, _GCH)],
                    sem_w,
                ))
            for wb in wbs:
                wb.wait()
            return carry

        lax.fori_loop(0, _N_GRP, body, 0)

    return _gather_kernel


def kernel(mm_embeddings):
    xn = _norm_call(mm_embeddings)
    sim, cids, gidx = _sim_call(xn, xn)
    table = sim.reshape(NCHUNK * N, CHUNK)
    gidx2 = gidx.T.reshape(_B // _GCH, _GCH)
    g = _make_gather_kernel()(table, gidx2)
    knn_val, knn_ind, lap = _topk_call(g.reshape(KNN, N, CHUNK), cids)
    indices0 = jnp.repeat(jnp.arange(N, dtype=jnp.int32), KNN)
    indices = jnp.stack([indices0, knn_ind.reshape(-1)], axis=0)
    return knn_val, lap.reshape(-1), indices

# --- scband reference (transcript-rebuilt; emitter-appended) ---
"""Pipeline reference for scband-sfsg-24721831756527 (READ-ONLY COPY).

The authoritative reference and input builder live on the scoring server;
editing this copy changes nothing except your own understanding.
"""

import jax, jax.numpy as jnp
import numpy as np

N_ITEMS = 16384
FEAT_DIM = 64
KNN_K = 10


def setup_inputs(seed: int = 0) -> dict:
    key = jax.random.key(seed)
    mm_embeddings = jax.random.normal(key, (N_ITEMS, FEAT_DIM), dtype=jnp.float32)
    return {"mm_embeddings": mm_embeddings}


def reference(mm_embeddings):
    # Faithful port of SFSG.get_knn_adj_mat + SFSG.compute_normalized_laplacian
    knn_k = KNN_K
    # context_norm = mm_embeddings.div(norm(mm_embeddings, p=2, dim=-1, keepdim=True))
    norm = jnp.linalg.norm(mm_embeddings, ord=2, axis=-1, keepdims=True)
    context_norm = mm_embeddings / norm
    # sim = context_norm @ context_norm.T  (full cosine similarity matrix)
    sim = jnp.matmul(context_norm, context_norm.T)
    # _, knn_ind = torch.topk(sim, knn_k, dim=-1)
    knn_val, knn_ind = jax.lax.top_k(sim, knn_k)
    n = sim.shape[0]
    # indices0 = arange(n).unsqueeze(1).expand(-1, knn_k)
    indices0 = jnp.repeat(jnp.arange(n, dtype=jnp.int32), knn_k)
    indices1 = knn_ind.reshape(-1).astype(jnp.int32)
    indices = jnp.stack([indices0, indices1], axis=0)
    # compute_normalized_laplacian:
    # adj = sparse tensor of ones at indices; row_sum = sparse.sum(adj, -1) + 1e-7
    ones = jnp.ones(indices0.shape[0], dtype=jnp.float32)
    row_sum = jnp.zeros(n, dtype=jnp.float32).at[indices0].add(ones) + 1e-07
    r_inv_sqrt = jnp.power(row_sum, -0.5)
    rows_inv_sqrt = r_inv_sqrt[indices0]
    cols_inv_sqrt = r_inv_sqrt[indices1]
    values = rows_inv_sqrt * cols_inv_sqrt
    # return top-k similarity values, normalized laplacian values, and sparse indices
    return knn_val, values, indices

if __name__ == "__main__":
    import jax
    _d = setup_inputs()
    print(jax.jit(kernel)(*tuple(_d.values())))

</pallas_src>

<mosaic_0001>
#map = affine_map<(d0, d1) -> (0, 0)>
module attributes {stable_mosaic.version = 14 : i64} {
  func.func @_gather_kernel(%arg0: i32, %arg1: i32, %arg2: memref<2097152x128xf32, #tpu.memory_space<hbm>>, %arg3: memref<1280x128xi32, #tpu.memory_space<hbm>>, %arg4: memref<163840x128xf32, #tpu.memory_space<hbm>>, %arg5: memref<40x128xi32, #tpu.memory_space<vmem>>, %arg6: memref<512x128xf32, #tpu.memory_space<vmem>>, %arg7: memref<!tpu.dma_semaphore, #tpu.memory_space<semaphore_mem>>, %arg8: memref<!tpu.dma_semaphore, #tpu.memory_space<semaphore_mem>>) attributes {dimension_semantics = [#tpu.dimension_semantics<core_parallel>, #tpu.dimension_semantics<subcore_parallel>], iteration_bounds = array<i64: 2, 16>, scalar_prefetch = 0 : i64, scratch_operands = 4 : i64, tpu.core_type = #tpu.core_type<sc_vector_subcore>, window_params = [{transform_indices = #map}, {transform_indices = #map}, {transform_indices = #map}]} {
    %mul3A = arith.constant 2 : i32
    %mul3A_0 = arith.muli %arg1, %mul3A : i32
    %add3A = arith.addi %mul3A_0, %arg0 : i32
    %mul3A_1 = arith.constant 5120 : i32
    %mul3A_2 = arith.muli %add3A, %mul3A_1 : i32
    %mul3A_3 = arith.constant 40 : i32
    %mul3A_4 = arith.muli %add3A, %mul3A_3 : i32
    "tpu.region"() ({
      %run_scoped3A = tpu.sem_alloc : memref<!tpu.dma_semaphore, #tpu.memory_space<semaphore_mem>>
      %dma_start3A = arith.constant 0 : i32
      %dma_start3A_10 = tpu.memref_slice %arg3[%mul3A_4, %dma_start3A] : memref<1280x128xi32, #tpu.memory_space<hbm>> -> memref<40x128xi32, #tpu.memory_space<hbm>>
      %dma_start3A_11 = arith.constant 0 : i32
      %dma_start3A_12 = tpu.memref_slice %arg3[%mul3A_4, %dma_start3A_11] : memref<1280x128xi32, #tpu.memory_space<hbm>> -> memref<40x128xi32, #tpu.memory_space<hbm>>
      tpu.enqueue_dma source(%dma_start3A_12 : memref<40x128xi32, #tpu.memory_space<hbm>>) target(%arg5 : memref<40x128xi32, #tpu.memory_space<vmem>>) target_semaphore(%run_scoped3A : memref<!tpu.dma_semaphore, #tpu.memory_space<semaphore_mem>>)
      %dma_wait3A = arith.constant 0 : i32
      %dma_wait3A_13 = tpu.memref_slice %arg3[%mul3A_4, %dma_wait3A] : memref<1280x128xi32, #tpu.memory_space<hbm>> -> memref<40x128xi32, #tpu.memory_space<hbm>>
      %dma_wait3A_14 = arith.constant 0 : i32
      %dma_wait3A_15 = tpu.memref_slice %arg3[%mul3A_4, %dma_wait3A_14] : memref<1280x128xi32, #tpu.memory_space<hbm>> -> memref<40x128xi32, #tpu.memory_space<hbm>>
      tpu.wait_dma2 semaphore(%run_scoped3A : memref<!tpu.dma_semaphore, #tpu.memory_space<semaphore_mem>>) src(%dma_wait3A_15 : memref<40x128xi32, #tpu.memory_space<hbm>>) dst(%arg5 : memref<40x128xi32, #tpu.memory_space<vmem>>)
      tpu.yield
    }) : () -> ()
    %scan3A = arith.constant 0 : i32
    %scan3A_5 = arith.constant 0 : i32
    %scan3A_6 = arith.constant 10 : i32
    %scan3A_7 = arith.addi %scan3A_5, %scan3A_6 : i32
    %scan3A_8 = arith.constant 1 : i32
    scf.for %scan3A_10 = %scan3A_5 to %scan3A_7 step %scan3A_8  : i32 {
      %mul3A_11 = arith.constant 4 : i32
      %mul3A_12 = arith.muli %scan3A_10, %mul3A_11 : i32
      %add3A_13 = arith.constant 0 : i32
      %add3A_14 = arith.addi %mul3A_12, %add3A_13 : i32
      %dma_start3A = arith.constant 0 : i32
      %dma_start3A_15 = arith.constant 0 : i32
      %dma_start3A_16 = tpu.memref_slice %arg6[%dma_start3A, %dma_start3A_15] : memref<512x128xf32, #tpu.memory_space<vmem>> -> memref<128x128xf32, #tpu.memory_space<vmem>>
      %dma_start3A_17 = arith.constant 0 : i32
      %dma_start3A_18 = tpu.memref_slice %arg5[%add3A_14, %dma_start3A_17] : memref<40x128xi32, #tpu.memory_space<vmem>> -> memref<1x128xi32, #tpu.memory_space<vmem>>
      %dma_start3A_19 = tpu.memref_squeeze %dma_start3A_18 : memref<1x128xi32, #tpu.memory_space<vmem>> -> memref<128xi32, #tpu.memory_space<vmem>>
      %dma_start3A_20 = arith.constant 0 : i32
      %dma_start3A_21 = arith.constant 0 : i32
      %dma_start3A_22 = tpu.memref_slice %arg2[%dma_start3A_20, %dma_start3A_21] : memref<2097152x128xf32, #tpu.memory_space<hbm>> -> memref<2097152x128xf32, #tpu.memory_space<hbm>>
      tpu.enqueue_indirect_dma source(%dma_start3A_22 : memref<2097152x128xf32, #tpu.memory_space<hbm>>) target(%dma_start3A_16 : memref<128x128xf32, #tpu.memory_space<vmem>>) offsets(%dma_start3A_19 : memref<128xi32, #tpu.memory_space<vmem>>) semaphore(%arg7 : memref<!tpu.dma_semaphore, #tpu.memory_space<semaphore_mem>>)
      %add3A_23 = arith.constant 1 : i32
      %add3A_24 = arith.addi %mul3A_12, %add3A_23 : i32
      %dma_start3A_25 = arith.constant 128 : i32
      %dma_start3A_26 = arith.constant 0 : i32
      %dma_start3A_27 = tpu.memref_slice %arg6[%dma_start3A_25, %dma_start3A_26] : memref<512x128xf32, #tpu.memory_space<vmem>> -> memref<128x128xf32, #tpu.memory_space<vmem>>
      %dma_start3A_28 = arith.constant 0 : i32
      %dma_start3A_29 = tpu.memref_slice %arg5[%add3A_24, %dma_start3A_28] : memref<40x128xi32, #tpu.memory_space<vmem>> -> memref<1x128xi32, #tpu.memory_space<vmem>>
      %dma_start3A_30 = tpu.memref_squeeze %dma_start3A_29 : memref<1x128xi32, #tpu.memory_space<vmem>> -> memref<128xi32, #tpu.memory_space<vmem>>
      %dma_start3A_31 = arith.constant 0 : i32
      %dma_start3A_32 = arith.constant 0 : i32
      %dma_start3A_33 = tpu.memref_slice %arg2[%dma_start3A_31, %dma_start3A_32] : memref<2097152x128xf32, #tpu.memory_space<hbm>> -> memref<2097152x128xf32, #tpu.memory_space<hbm>>
      tpu.enqueue_indirect_dma source(%dma_start3A_33 : memref<2097152x128xf32, #tpu.memory_space<hbm>>) target(%dma_start3A_27 : memref<128x128xf32, #tpu.memory_space<vmem>>) offsets(%dma_start3A_30 : memref<128xi32, #tpu.memory_space<vmem>>) semaphore(%arg7 : memref<!tpu.dma_semaphore, #tpu.memory_space<semaphore_mem>>)
      %add3A_34 = arith.constant 2 : i32
      %add3A_35 = arith.addi %mul3A_12, %add3A_34 : i32
      %dma_start3A_36 = arith.constant 256 : i32
      %dma_start3A_37 = arith.constant 0 : i32
      %dma_start3A_38 = tpu.memref_slice %arg6[%dma_start3A_36, %dma_start3A_37] : memref<512x128xf32, #tpu.memory_space<vmem>> -> memref<128x128xf32, #tpu.memory_space<vmem>>
      %dma_start3A_39 = arith.constant 0 : i32
      %dma_start3A_40 = tpu.memref_slice %arg5[%add3A_35, %dma_start3A_39] : memref<40x128xi32, #tpu.memory_space<vmem>> -> memref<1x128xi32, #tpu.memory_space<vmem>>
      %dma_start3A_41 = tpu.memref_squeeze %dma_start3A_40 : memref<1x128xi32, #tpu.memory_space<vmem>> -> memref<128xi32, #tpu.memory_space<vmem>>
      %dma_start3A_42 = arith.constant 0 : i32
      %dma_start3A_43 = arith.constant 0 : i32
      %dma_start3A_44 = tpu.memref_slice %arg2[%dma_start3A_42, %dma_start3A_43] : memref<2097152x128xf32, #tpu.memory_space<hbm>> -> memref<2097152x128xf32, #tpu.memory_space<hbm>>
      tpu.enqueue_indirect_dma source(%dma_start3A_44 : memref<2097152x128xf32, #tpu.memory_space<hbm>>) target(%dma_start3A_38 : memref<128x128xf32, #tpu.memory_space<vmem>>) offsets(%dma_start3A_41 : memref<128xi32, #tpu.memory_space<vmem>>) semaphore(%arg7 : memref<!tpu.dma_semaphore, #tpu.memory_space<semaphore_mem>>)
      %add3A_45 = arith.constant 3 : i32
      %add3A_46 = arith.addi %mul3A_12, %add3A_45 : i32
      %dma_start3A_47 = arith.constant 384 : i32
      %dma_start3A_48 = arith.constant 0 : i32
      %dma_start3A_49 = tpu.memref_slice %arg6[%dma_start3A_47, %dma_start3A_48] : memref<512x128xf32, #tpu.memory_space<vmem>> -> memref<128x128xf32, #tpu.memory_space<vmem>>
      %dma_start3A_50 = arith.constant 0 : i32
      %dma_start3A_51 = tpu.memref_slice %arg5[%add3A_46, %dma_start3A_50] : memref<40x128xi32, #tpu.memory_space<vmem>> -> memref<1x128xi32, #tpu.memory_space<vmem>>
      %dma_start3A_52 = tpu.memref_squeeze %dma_start3A_51 : memref<1x128xi32, #tpu.memory_space<vmem>> -> memref<128xi32, #tpu.memory_space<vmem>>
      %dma_start3A_53 = arith.constant 0 : i32
      %dma_start3A_54 = arith.constant 0 : i32
      %dma_start3A_55 = tpu.memref_slice %arg2[%dma_start3A_53, %dma_start3A_54] : memref<2097152x128xf32, #tpu.memory_space<hbm>> -> memref<2097152x128xf32, #tpu.memory_space<hbm>>
      tpu.enqueue_indirect_dma source(%dma_start3A_55 : memref<2097152x128xf32, #tpu.memory_space<hbm>>) target(%dma_start3A_49 : memref<128x128xf32, #tpu.memory_space<vmem>>) offsets(%dma_start3A_52 : memref<128xi32, #tpu.memory_space<vmem>>) semaphore(%arg7 : memref<!tpu.dma_semaphore, #tpu.memory_space<semaphore_mem>>)
      %dma_wait3A = arith.constant 0 : i32
      %dma_wait3A_56 = arith.constant 0 : i32
      %dma_wait3A_57 = tpu.memref_slice %arg6[%dma_wait3A, %dma_wait3A_56] : memref<512x128xf32, #tpu.memory_space<vmem>> -> memref<128x128xf32, #tpu.memory_space<vmem>>
      %dma_wait3A_58 = arith.constant 0 : i32
      %dma_wait3A_59 = tpu.memref_slice %arg5[%add3A_14, %dma_wait3A_58] : memref<40x128xi32, #tpu.memory_space<vmem>> -> memref<1x128xi32, #tpu.memory_space<vmem>>
      %dma_wait3A_60 = tpu.memref_squeeze %dma_wait3A_59 : memref<1x128xi32, #tpu.memory_space<vmem>> -> memref<128xi32, #tpu.memory_space<vmem>>
      %dma_wait3A_61 = arith.constant 0 : i32
      %dma_wait3A_62 = arith.constant 0 : i32
      %dma_wait3A_63 = tpu.memref_slice %arg2[%dma_wait3A_61, %dma_wait3A_62] : memref<2097152x128xf32, #tpu.memory_space<hbm>> -> memref<2097152x128xf32, #tpu.memory_space<hbm>>
      tpu.wait_indirect_dma semaphore(%arg7 : memref<!tpu.dma_semaphore, #tpu.memory_space<semaphore_mem>>) src(%dma_wait3A_63 : memref<2097152x128xf32, #tpu.memory_space<hbm>>) dst(%dma_wait3A_57 : memref<128x128xf32, #tpu.memory_space<vmem>>)
      %add3A_64 = arith.constant 0 : i32
      %add3A_65 = arith.addi %mul3A_12, %add3A_64 : i32
      %mul3A_66 = arith.constant 128 : i32
      %mul3A_67 = arith.muli %add3A_65, %mul3A_66 : i32
      %add3A_68 = arith.addi %mul3A_2, %mul3A_67 : i32
      %dma_start3A_69 = arith.constant 0 : i32
      %dma_start3A_70 = arith.constant 0 : i32
      %dma_start3A_71 = tpu.memref_slice %arg6[%dma_start3A_69, %dma_start3A_70] : memref<512x128xf32, #tpu.memory_space<vmem>> -> memref<128x128xf32, #tpu.memory_space<vmem>>
      %dma_start3A_72 = arith.constant 0 : i32
      %dma_start3A_73 = tpu.memref_slice %arg4[%add3A_68, %dma_start3A_72] : memref<163840x128xf32, #tpu.memory_space<hbm>> -> memref<128x128xf32, #tpu.memory_space<hbm>>
      %dma_start3A_74 = arith.constant 0 : i32
      %dma_start3A_75 = tpu.memref_slice %arg4[%add3A_68, %dma_start3A_74] : memref<163840x128xf32, #tpu.memory_space<hbm>> -> memref<128x128xf32, #tpu.memory_space<hbm>>
      %dma_start3A_76 = arith.constant 0 : i32
      %dma_start3A_77 = arith.constant 0 : i32
      %dma_start3A_78 = tpu.memref_slice %arg6[%dma_start3A_76, %dma_start3A_77] : memref<512x128xf32, #tpu.memory_space<vmem>> -> memref<128x128xf32, #tpu.memory_space<vmem>>
      tpu.enqueue_dma source(%dma_start3A_78 : memref<128x128xf32, #tpu.memory_space<vmem>>) target(%dma_start3A_75 : memref<128x128xf32, #tpu.memory_space<hbm>>) target_semaphore(%arg8 : memref<!tpu.dma_semaphore, #tpu.memory_space<semaphore_mem>>)
      %dma_wait3A_79 = arith.constant 128 : i32
      %dma_wait3A_80 = arith.constant 0 : i32
      %dma_wait3A_81 = tpu.memref_slice %arg6[%dma_wait3A_79, %dma_wait3A_80] : memref<512x128xf32, #tpu.memory_space<vmem>> -> memref<128x128xf32, #tpu.memory_space<vmem>>
      %dma_wait3A_82 = arith.constant 0 : i32
      %dma_wait3A_83 = tpu.memref_slice %arg5[%add3A_24, %dma_wait3A_82] : memref<40x128xi32, #tpu.memory_space<vmem>> -> memref<1x128xi32, #tpu.memory_space<vmem>>
      %dma_wait3A_84 = tpu.memref_squeeze %dma_wait3A_83 : memref<1x128xi32, #tpu.memory_space<vmem>> -> memref<128xi32, #tpu.memory_space<vmem>>
      %dma_wait3A_85 = arith.constant 0 : i32
      %dma_wait3A_86 = arith.constant 0 : i32
      %dma_wait3A_87 = tpu.memref_slice %arg2[%dma_wait3A_85, %dma_wait3A_86] : memref<2097152x128xf32, #tpu.memory_space<hbm>> -> memref<2097152x128xf32, #tpu.memory_space<hbm>>
      tpu.wait_indirect_dma semaphore(%arg7 : memref<!tpu.dma_semaphore, #tpu.memory_space<semaphore_mem>>) src(%dma_wait3A_87 : memref<2097152x128xf32, #tpu.memory_space<hbm>>) dst(%dma_wait3A_81 : memref<128x128xf32, #tpu.memory_space<vmem>>)
      %add3A_88 = arith.constant 1 : i32
      %add3A_89 = arith.addi %mul3A_12, %add3A_88 : i32
      %mul3A_90 = arith.constant 128 : i32
      %mul3A_91 = arith.muli %add3A_89, %mul3A_90 : i32
      %add3A_92 = arith.addi %mul3A_2, %mul3A_91 : i32
      %dma_start3A_93 = arith.constant 128 : i32
      %dma_start3A_94 = arith.constant 0 : i32
      %dma_start3A_95 = tpu.memref_slice %arg6[%dma_start3A_93, %dma_start3A_94] : memref<512x128xf32, #tpu.memory_space<vmem>> -> memref<128x128xf32, #tpu.memory_space<vmem>>
      %dma_start3A_96 = arith.constant 0 : i32
      %dma_start3A_97 = tpu.memref_slice %arg4[%add3A_92, %dma_start3A_96] : memref<163840x128xf32, #tpu.memory_space<hbm>> -> memref<128x128xf32, #tpu.memory_space<hbm>>
      %dma_start3A_98 = arith.constant 0 : i32
      %dma_start3A_99 = tpu.memref_slice %arg4[%add3A_92, %dma_start3A_98] : memref<163840x128xf32, #tpu.memory_space<hbm>> -> memref<128x128xf32, #tpu.memory_space<hbm>>
      %dma_start3A_100 = arith.constant 128 : i32
      %dma_start3A_101 = arith.constant 0 : i32
      %dma_start3A_102 = tpu.memref_slice %arg6[%dma_start3A_100, %dma_start3A_101] : memref<512x128xf32, #tpu.memory_space<vmem>> -> memref<128x128xf32, #tpu.memory_space<vmem>>
      tpu.enqueue_dma source(%dma_start3A_102 : memref<128x128xf32, #tpu.memory_space<vmem>>) target(%dma_start3A_99 : memref<128x128xf32, #tpu.memory_space<hbm>>) target_semaphore(%arg8 : memref<!tpu.dma_semaphore, #tpu.memory_space<semaphore_mem>>)
      %dma_wait3A_103 = arith.constant 256 : i32
      %dma_wait3A_104 = arith.constant 0 : i32
      %dma_wait3A_105 = tpu.memref_slice %arg6[%dma_wait3A_103, %dma_wait3A_104] : memref<512x128xf32, #tpu.memory_space<vmem>> -> memref<128x128xf32, #tpu.memory_space<vmem>>
      %dma_wait3A_106 = arith.constant 0 : i32
      %dma_wait3A_107 = tpu.memref_slice %arg5[%add3A_35, %dma_wait3A_106] : memref<40x128xi32, #tpu.memory_space<vmem>> -> memref<1x128xi32, #tpu.memory_space<vmem>>
      %dma_wait3A_108 = tpu.memref_squeeze %dma_wait3A_107 : memref<1x128xi32, #tpu.memory_space<vmem>> -> memref<128xi32, #tpu.memory_space<vmem>>
      %dma_wait3A_109 = arith.constant 0 : i32
      %dma_wait3A_110 = arith.constant 0 : i32
      %dma_wait3A_111 = tpu.memref_slice %arg2[%dma_wait3A_109, %dma_wait3A_110] : memref<2097152x128xf32, #tpu.memory_space<hbm>> -> memref<2097152x128xf32, #tpu.memory_space<hbm>>
      tpu.wait_indirect_dma semaphore(%arg7 : memref<!tpu.dma_semaphore, #tpu.memory_space<semaphore_mem>>) src(%dma_wait3A_111 : memref<2097152x128xf32, #tpu.memory_space<hbm>>) dst(%dma_wait3A_105 : memref<128x128xf32, #tpu.memory_space<vmem>>)
      %add3A_112 = arith.constant 2 : i32
      %add3A_113 = arith.addi %mul3A_12, %add3A_112 : i32
      %mul3A_114 = arith.constant 128 : i32
      %mul3A_115 = arith.muli %add3A_113, %mul3A_114 : i32
      %add3A_116 = arith.addi %mul3A_2, %mul3A_115 : i32
      %dma_start3A_117 = arith.constant 256 : i32
      %dma_start3A_118 = arith.constant 0 : i32
      %dma_start3A_119 = tpu.memref_slice %arg6[%dma_start3A_117, %dma_start3A_118] : memref<512x128xf32, #tpu.memory_space<vmem>> -> memref<128x128xf32, #tpu.memory_space<vmem>>
      %dma_start3A_120 = arith.constant 0 : i32
      %dma_start3A_121 = tpu.memref_slice %arg4[%add3A_116, %dma_start3A_120] : memref<163840x128xf32, #tpu.memory_space<hbm>> -> memref<128x128xf32, #tpu.memory_space<hbm>>
      %dma_start3A_122 = arith.constant 0 : i32
      %dma_start3A_123 = tpu.memref_slice %arg4[%add3A_116, %dma_start3A_122] : memref<163840x128xf32, #tpu.memory_space<hbm>> -> memref<128x128xf32, #tpu.memory_space<hbm>>
      %dma_start3A_124 = arith.constant 256 : i32
      %dma_start3A_125 = arith.constant 0 : i32
      %dma_start3A_126 = tpu.memref_slice %arg6[%dma_start3A_124, %dma_start3A_125] : memref<512x128xf32, #tpu.memory_space<vmem>> -> memref<128x128xf32, #tpu.memory_space<vmem>>
      tpu.enqueue_dma source(%dma_start3A_126 : memref<128x128xf32, #tpu.memory_space<vmem>>) target(%dma_start3A_123 : memref<128x128xf32, #tpu.memory_space<hbm>>) target_semaphore(%arg8 : memref<!tpu.dma_semaphore, #tpu.memory_space<semaphore_mem>>)
      %dma_wait3A_127 = arith.constant 384 : i32
      %dma_wait3A_128 = arith.constant 0 : i32
      %dma_wait3A_129 = tpu.memref_slice %arg6[%dma_wait3A_127, %dma_wait3A_128] : memref<512x128xf32, #tpu.memory_space<vmem>> -> memref<128x128xf32, #tpu.memory_space<vmem>>
      %dma_wait3A_130 = arith.constant 0 : i32
      %dma_wait3A_131 = tpu.memref_slice %arg5[%add3A_46, %dma_wait3A_130] : memref<40x128xi32, #tpu.memory_space<vmem>> -> memref<1x128xi32, #tpu.memory_space<vmem>>
      %dma_wait3A_132 = tpu.memref_squeeze %dma_wait3A_131 : memref<1x128xi32, #tpu.memory_space<vmem>> -> memref<128xi32, #tpu.memory_space<vmem>>
      %dma_wait3A_133 = arith.constant 0 : i32
      %dma_wait3A_134 = arith.constant 0 : i32
      %dma_wait3A_135 = tpu.memref_slice %arg2[%dma_wait3A_133, %dma_wait3A_134] : memref<2097152x128xf32, #tpu.memory_space<hbm>> -> memref<2097152x128xf32, #tpu.memory_space<hbm>>
      tpu.wait_indirect_dma semaphore(%arg7 : memref<!tpu.dma_semaphore, #tpu.memory_space<semaphore_mem>>) src(%dma_wait3A_135 : memref<2097152x128xf32, #tpu.memory_space<hbm>>) dst(%dma_wait3A_129 : memref<128x128xf32, #tpu.memory_space<vmem>>)
      %add3A_136 = arith.constant 3 : i32
      %add3A_137 = arith.addi %mul3A_12, %add3A_136 : i32
      %mul3A_138 = arith.constant 128 : i32
      %mul3A_139 = arith.muli %add3A_137, %mul3A_138 : i32
      %add3A_140 = arith.addi %mul3A_2, %mul3A_139 : i32
      %dma_start3A_141 = arith.constant 384 : i32
      %dma_start3A_142 = arith.constant 0 : i32
      %dma_start3A_143 = tpu.memref_slice %arg6[%dma_start3A_141, %dma_start3A_142] : memref<512x128xf32, #tpu.memory_space<vmem>> -> memref<128x128xf32, #tpu.memory_space<vmem>>
      %dma_start3A_144 = arith.constant 0 : i32
      %dma_start3A_145 = tpu.memref_slice %arg4[%add3A_140, %dma_start3A_144] : memref<163840x128xf32, #tpu.memory_space<hbm>> -> memref<128x128xf32, #tpu.memory_space<hbm>>
      %dma_start3A_146 = arith.constant 0 : i32
      %dma_start3A_147 = tpu.memref_slice %arg4[%add3A_140, %dma_start3A_146] : memref<163840x128xf32, #tpu.memory_space<hbm>> -> memref<128x128xf32, #tpu.memory_space<hbm>>
      %dma_start3A_148 = arith.constant 384 : i32
      %dma_start3A_149 = arith.constant 0 : i32
      %dma_start3A_150 = tpu.memref_slice %arg6[%dma_start3A_148, %dma_start3A_149] : memref<512x128xf32, #tpu.memory_space<vmem>> -> memref<128x128xf32, #tpu.memory_space<vmem>>
      tpu.enqueue_dma source(%dma_start3A_150 : memref<128x128xf32, #tpu.memory_space<vmem>>) target(%dma_start3A_147 : memref<128x128xf32, #tpu.memory_space<hbm>>) target_semaphore(%arg8 : memref<!tpu.dma_semaphore, #tpu.memory_space<semaphore_mem>>)
      %dma_wait3A_151 = arith.constant 0 : i32
      %dma_wait3A_152 = arith.constant 0 : i32
      %dma_wait3A_153 = tpu.memref_slice %arg6[%dma_wait3A_151, %dma_wait3A_152] : memref<512x128xf32, #tpu.memory_space<vmem>> -> memref<128x128xf32, #tpu.memory_space<vmem>>
      %dma_wait3A_154 = arith.constant 0 : i32
      %dma_wait3A_155 = tpu.memref_slice %arg4[%add3A_68, %dma_wait3A_154] : memref<163840x128xf32, #tpu.memory_space<hbm>> -> memref<128x128xf32, #tpu.memory_space<hbm>>
      %dma_wait3A_156 = arith.constant 0 : i32
      %dma_wait3A_157 = tpu.memref_slice %arg4[%add3A_68, %dma_wait3A_156] : memref<163840x128xf32, #tpu.memory_space<hbm>> -> memref<128x128xf32, #tpu.memory_space<hbm>>
      %dma_wait3A_158 = arith.constant 0 : i32
      %dma_wait3A_159 = arith.constant 0 : i32
      %dma_wait3A_160 = tpu.memref_slice %arg6[%dma_wait3A_158, %dma_wait3A_159] : memref<512x128xf32, #tpu.memory_space<vmem>> -> memref<128x128xf32, #tpu.memory_space<vmem>>
      tpu.wait_dma2 semaphore(%arg8 : memref<!tpu.dma_semaphore, #tpu.memory_space<semaphore_mem>>) src(%dma_wait3A_160 : memref<128x128xf32, #tpu.memory_space<vmem>>) dst(%dma_wait3A_157 : memref<128x128xf32, #tpu.memory_space<hbm>>)
      %dma_wait3A_161 = arith.constant 128 : i32
      %dma_wait3A_162 = arith.constant 0 : i32
      %dma_wait3A_163 = tpu.memref_slice %arg6[%dma_wait3A_161, %dma_wait3A_162] : memref<512x128xf32, #tpu.memory_space<vmem>> -> memref<128x128xf32, #tpu.memory_space<vmem>>
      %dma_wait3A_164 = arith.constant 0 : i32
      %dma_wait3A_165 = tpu.memref_slice %arg4[%add3A_92, %dma_wait3A_164] : memref<163840x128xf32, #tpu.memory_space<hbm>> -> memref<128x128xf32, #tpu.memory_space<hbm>>
      %dma_wait3A_166 = arith.constant 0 : i32
      %dma_wait3A_167 = tpu.memref_slice %arg4[%add3A_92, %dma_wait3A_166] : memref<163840x128xf32, #tpu.memory_space<hbm>> -> memref<128x128xf32, #tpu.memory_space<hbm>>
      %dma_wait3A_168 = arith.constant 128 : i32
      %dma_wait3A_169 = arith.constant 0 : i32
      %dma_wait3A_170 = tpu.memref_slice %arg6[%dma_wait3A_168, %dma_wait3A_169] : memref<512x128xf32, #tpu.memory_space<vmem>> -> memref<128x128xf32, #tpu.memory_space<vmem>>
      tpu.wait_dma2 semaphore(%arg8 : memref<!tpu.dma_semaphore, #tpu.memory_space<semaphore_mem>>) src(%dma_wait3A_170 : memref<128x128xf32, #tpu.memory_space<vmem>>) dst(%dma_wait3A_167 : memref<128x128xf32, #tpu.memory_space<hbm>>)
      %dma_wait3A_171 = arith.constant 256 : i32
      %dma_wait3A_172 = arith.constant 0 : i32
      %dma_wait3A_173 = tpu.memref_slice %arg6[%dma_wait3A_171, %dma_wait3A_172] : memref<512x128xf32, #tpu.memory_space<vmem>> -> memref<128x128xf32, #tpu.memory_space<vmem>>
      %dma_wait3A_174 = arith.constant 0 : i32
      %dma_wait3A_175 = tpu.memref_slice %arg4[%add3A_116, %dma_wait3A_174] : memref<163840x128xf32, #tpu.memory_space<hbm>> -> memref<128x128xf32, #tpu.memory_space<hbm>>
      %dma_wait3A_176 = arith.constant 0 : i32
      %dma_wait3A_177 = tpu.memref_slice %arg4[%add3A_116, %dma_wait3A_176] : memref<163840x128xf32, #tpu.memory_space<hbm>> -> memref<128x128xf32, #tpu.memory_space<hbm>>
      %dma_wait3A_178 = arith.constant 256 : i32
      %dma_wait3A_179 = arith.constant 0 : i32
      %dma_wait3A_180 = tpu.memref_slice %arg6[%dma_wait3A_178, %dma_wait3A_179] : memref<512x128xf32, #tpu.memory_space<vmem>> -> memref<128x128xf32, #tpu.memory_space<vmem>>
      tpu.wait_dma2 semaphore(%arg8 : memref<!tpu.dma_semaphore, #tpu.memory_space<semaphore_mem>>) src(%dma_wait3A_180 : memref<128x128xf32, #tpu.memory_space<vmem>>) dst(%dma_wait3A_177 : memref<128x128xf32, #tpu.memory_space<hbm>>)
      %dma_wait3A_181 = arith.constant 384 : i32
      %dma_wait3A_182 = arith.constant 0 : i32
      %dma_wait3A_183 = tpu.memref_slice %arg6[%dma_wait3A_181, %dma_wait3A_182] : memref<512x128xf32, #tpu.memory_space<vmem>> -> memref<128x128xf32, #tpu.memory_space<vmem>>
      %dma_wait3A_184 = arith.constant 0 : i32
      %dma_wait3A_185 = tpu.memref_slice %arg4[%add3A_140, %dma_wait3A_184] : memref<163840x128xf32, #tpu.memory_space<hbm>> -> memref<128x128xf32, #tpu.memory_space<hbm>>
      %dma_wait3A_186 = arith.constant 0 : i32
      %dma_wait3A_187 = tpu.memref_slice %arg4[%add3A_140, %dma_wait3A_186] : memref<163840x128xf32, #tpu.memory_space<hbm>> -> memref<128x128xf32, #tpu.memory_space<hbm>>
      %dma_wait3A_188 = arith.constant 384 : i32
      %dma_wait3A_189 = arith.constant 0 : i32
      %dma_wait3A_190 = tpu.memref_slice %arg6[%dma_wait3A_188, %dma_wait3A_189] : memref<512x128xf32, #tpu.memory_space<vmem>> -> memref<128x128xf32, #tpu.memory_space<vmem>>
      tpu.wait_dma2 semaphore(%arg8 : memref<!tpu.dma_semaphore, #tpu.memory_space<semaphore_mem>>) src(%dma_wait3A_190 : memref<128x128xf32, #tpu.memory_space<vmem>>) dst(%dma_wait3A_187 : memref<128x128xf32, #tpu.memory_space<hbm>>)
    }
    %scan3A_9 = arith.constant 10 : i32
    return
  }
}

module attributes {stable_mosaic.version = 14 : i64} {
  func.func @_norm_body(%arg0: memref<16384x64xf32, #tpu.memory_space<vmem>>, %arg1: memref<16384x64xf32, #tpu.memory_space<vmem>>) attributes {dimension_semantics = [], scalar_prefetch = 0 : i64, scratch_operands = 0 : i64, tpu.core_type = #tpu.core_type<tc>} {
    %get3A = arith.constant 0 : index
    %get3A_0 = arith.constant 0 : index
    %get3A_1 = vector.load %arg0[%get3A, %get3A_0] : memref<16384x64xf32, #tpu.memory_space<vmem>>, vector<16384x64xf32>
    %mul3A = arith.mulf %get3A_1, %get3A_1 : vector<16384x64xf32>
    %reduce_sum3A = arith.constant dense<0.000000e+00> : vector<16384xf32>
    %reduce_sum3A_2 = vector.multi_reduction <add>, %mul3A, %reduce_sum3A [1] : vector<16384x64xf32> to vector<16384xf32>
    %broadcast_in_dim3A = vector.shape_cast %reduce_sum3A_2 : vector<16384xf32> to vector<16384x1xf32>
    %sqrt3A = math.sqrt %broadcast_in_dim3A : vector<16384x1xf32>
    %div3A = vector.broadcast %sqrt3A : vector<16384x1xf32> to vector<16384x64xf32>
    %div3A_3 = arith.divf %get3A_1, %div3A : vector<16384x64xf32>
    %swap3A = arith.constant 0 : index
    %swap3A_4 = arith.constant 0 : index
    %swap3A_5 = vector.load %arg1[%swap3A, %swap3A_4] : memref<16384x64xf32, #tpu.memory_space<vmem>>, vector<16384x64xf32>
    tpu.vector_store %arg1[%swap3A, %swap3A_4], %div3A_3 {strides = array<i32>} : memref<16384x64xf32, #tpu.memory_space<vmem>>, vector<16384x64xf32>,
    return
  }
}

module attributes {stable_mosaic.version = 14 : i64} {
  func.func @_sim_body(%arg0: i32, %arg1: memref<256x64xf32, #tpu.memory_space<vmem>>, %arg2: memref<16384x64xf32, #tpu.memory_space<vmem>>, %arg3: memref<128x256x128xf32, #tpu.memory_space<vmem>>, %arg4: memref<256x10xi32, #tpu.memory_space<vmem>>, %arg5: memref<256x10xi32, #tpu.memory_space<vmem>>) attributes {dimension_semantics = [#tpu.dimension_semantics<arbitrary>], iteration_bounds = array<i64: 64>, scalar_prefetch = 0 : i64, scratch_operands = 0 : i64, tpu.core_type = #tpu.core_type<tc>, window_params = [{transform_indices = @transform_0, window_bounds = array<i64: 256, 64>}, {pipeline_mode = #tpu.pipeline_mode<synchronous>, transform_indices = @transform_1, window_bounds = array<i64: 16384, 64>}, {transform_indices = @transform_2, window_bounds = array<i64: 128, 256, 128>}, {transform_indices = @transform_3, window_bounds = array<i64: 256, 10>}, {transform_indices = @transform_4, window_bounds = array<i64: 256, 10>}]} {
    %get3A = arith.constant 0 : index
    %get3A_0 = arith.constant 0 : index
    %get3A_1 = vector.load %arg1[%get3A, %get3A_0] : memref<256x64xf32, #tpu.memory_space<vmem>>, vector<256x64xf32>
    %get3A_2 = arith.constant 0 : index
    %get3A_3 = arith.constant 0 : index
    %get3A_4 = vector.load %arg2[%get3A_2, %get3A_3] : memref<16384x64xf32, #tpu.memory_space<vmem>>, vector<16384x64xf32>
    %dot_general3A = arith.constant dense<0.000000e+00> : vector<256x16384xf32>
    %dot_general3A_5 = tpu.matmul %get3A_1, %get3A_4, %dot_general3A {dimension_numbers = #tpu.dot_dimension_numbers<[1], [1], [0], [0], [0, 0, 1, 0], [], []>, transpose_lhs_hint = false} : vector<256x64xf32>, vector<16384x64xf32>, vector<256x16384xf32> -> vector<256x16384xf32>
    %slice3A = vector.extract_strided_slice %dot_general3A_5 {offsets = [0, 0], sizes = [256, 128], strides = [1, 1]} : vector<256x16384xf32> to vector<256x128xf32>
    %swap3A = arith.constant 0 : index
    %swap3A_6 = arith.constant 0 : index
    %swap3A_7 = arith.constant 0 : index
    %swap3A_8 = vector.load %arg3[%swap3A, %swap3A_6, %swap3A_7] : memref<128x256x128xf32, #tpu.memory_space<vmem>>, vector<1x256x128xf32>
    %swap3A_9 = vector.shape_cast %swap3A_8 : vector<1x256x128xf32> to vector<256x128xf32>
    %swap3A_10 = vector.shape_cast %slice3A : vector<256x128xf32> to vector<1x256x128xf32>
    tpu.vector_store %arg3[%swap3A, %swap3A_6, %swap3A_7], %swap3A_10 {strides = array<i32>} : memref<128x256x128xf32, #tpu.memory_space<vmem>>, vector<1x256x128xf32>,
    %slice3A_11 = vector.extract_strided_slice %dot_general3A_5 {offsets = [0, 128], sizes = [256, 128], strides = [1, 1]} : vector<256x16384xf32> to vector<256x128xf32>
    %swap3A_12 = arith.constant 1 : index
    %swap3A_13 = arith.constant 0 : index
    %swap3A_14 = arith.constant 0 : index
    %swap3A_15 = vector.load %arg3[%swap3A_12, %swap3A_13, %swap3A_14] : memref<128x256x128xf32, #tpu.memory_space<vmem>>, vector<1x256x128xf32>
    %swap3A_16 = vector.shape_cast %swap3A_15 : vector<1x256x128xf32> to vector<256x128xf32>
    %swap3A_17 = vector.shape_cast %slice3A_11 : vector<256x128xf32> to vector<1x256x128xf32>
    tpu.vector_store %arg3[%swap3A_12, %swap3A_13, %swap3A_14], %swap3A_17 {strides = array<i32>} : memref<128x256x128xf32, #tpu.memory_space<vmem>>, vector<1x256x128xf32>,
    %slice3A_18 = vector.extract_strided_slice %dot_general3A_5 {offsets = [0, 256], sizes = [256, 128], strides = [1, 1]} : vector<256x16384xf32> to vector<256x128xf32>
    %swap3A_19 = arith.constant 2 : index
    %swap3A_20 = arith.constant 0 : index
    %swap3A_21 = arith.constant 0 : index
    %swap3A_22 = vector.load %arg3[%swap3A_19, %swap3A_20, %swap3A_21] : memref<128x256x128xf32, #tpu.memory_space<vmem>>, vector<1x256x128xf32>
    %swap3A_23 = vector.shape_cast %swap3A_22 : vector<1x256x128xf32> to vector<256x128xf32>
    %swap3A_24 = vector.shape_cast %slice3A_18 : vector<256x128xf32> to vector<1x256x128xf32>
    tpu.vector_store %arg3[%swap3A_19, %swap3A_20, %swap3A_21], %swap3A_24 {strides = array<i32>} : memref<128x256x128xf32, #tpu.memory_space<vmem>>, vector<1x256x128xf32>,
    %slice3A_25 = vector.extract_strided_slice %dot_general3A_5 {offsets = [0, 384], sizes = [256, 128], strides = [1, 1]} : vector<256x16384xf32> to vector<256x128xf32>
    %swap3A_26 = arith.constant 3 : index
    %swap3A_27 = arith.constant 0 : index
    %swap3A_28 = arith.constant 0 : index
    %swap3A_29 = vector.load %arg3[%swap3A_26, %swap3A_27, %swap3A_28] : memref<128x256x128xf32, #tpu.memory_space<vmem>>, vector<1x256x128xf32>
    %swap3A_30 = vector.shape_cast %swap3A_29 : vector<1x256x128xf32> to vector<256x128xf32>
    %swap3A_31 = vector.shape_cast %slice3A_25 : vector<256x128xf32> to vector<1x256x128xf32>
    tpu.vector_store %arg3[%swap3A_26, %swap3A_27, %swap3A_28], %swap3A_31 {strides = array<i32>} : memref<128x256x128xf32, #tpu.memory_space<vmem>>, vector<1x256x128xf32>,
    %slice3A_32 = vector.extract_strided_slice %dot_general3A_5 {offsets = [0, 512], sizes = [256, 128], strides = [1, 1]} : vector<256x16384xf32> to vector<256x128xf32>
    %swap3A_33 = arith.constant 4 : index
    %swap3A_34 = arith.constant 0 : index
    %swap3A_35 = arith.constant 0 : index
    %swap3A_36 = vector.load %arg3[%swap3A_33, %swap3A_34, %swap3A_35] : memref<128x256x128xf32, #tpu.memory_space<vmem>>, vector<1x256x128xf32>
    %swap3A_37 = vector.shape_cast %swap3A_36 : vector<1x256x128xf32> to vector<256x128xf32>
    %swap3A_38 = vector.shape_cast %slice3A_32 : vector<256x128xf32> to vector<1x256x128xf32>
    tpu.vector_store %arg3[%swap3A_33, %swap3A_34, %swap3A_35], %swap3A_38 {strides = array<i32>} : memref<128x256x128xf32, #tpu.memory_space<vmem>>, vector<1x256x128xf32>,
    %slice3A_39 = vector.extract_strided_slice %dot_general3A_5 {offsets = [0, 640], sizes = [256, 128], strides = [1, 1]} : vector<256x16384xf32> to vector<256x128xf32>
    %swap3A_40 = arith.constant 5 : index
    %swap3A_41 = arith.constant 0 : index
    %swap3A_42 = arith.constant 0 : index
    %swap3A_43 = vector.load %arg3[%swap3A_40, %swap3A_41, %swap3A_42] : memref<128x256x128xf32, #tpu.memory_space<vmem>>, vector<1x256x128xf32>
    %swap3A_44 = vector.shape_cast %swap3A_43 : vector<1x256x128xf32> to vector<256x128xf32>
    %swap3A_45 = vector.shape_cast %slice3A_39 : vector<256x128xf32> to vector<1x256x128xf32>
    tpu.vector_store %arg3[%swap3A_40, %swap3A_41, %swap3A_42], %swap3A_45 {strides = array<i32>} : memref<128x256x128xf32, #tpu.memory_space<vmem>>, vector<1x256x128xf32>,
    %slice3A_46 = vector.extract_strided_slice %dot_general3A_5 {offsets = [0, 768], sizes = [256, 128], strides = [1, 1]} : vector<256x16384xf32> to vector<256x128xf32>
    %swap3A_47 = arith.constant 6 : index
    %swap3A_48 = arith.constant 0 : index
    %swap3A_49 = arith.constant 0 : index
    %swap3A_50 = vector.load %arg3[%swap3A_47, %swap3A_48, %swap3A_49] : memref<128x256x128xf32, #tpu.memory_space<vmem>>, vector<1x256x128xf32>
    %swap3A_51 = vector.shape_cast %swap3A_50 : vector<1x256x128xf32> to vector<256x128xf32>
    %swap3A_52 = vector.shape_cast %slice3A_46 : vector<256x128xf32> to vector<1x256x128xf32>
    tpu.vector_store %arg3[%swap3A_47, %swap3A_48, %swap3A_49], %swap3A_52 {strides = array<i32>} : memref<128x256x128xf32, #tpu.memory_space<vmem>>, vector<1x256x128xf32>,
    %slice3A_53 = vector.extract_strided_slice %dot_general3A_5 {offsets = [0, 896], sizes = [256, 128], strides = [1, 1]} : vector<256x16384xf32> to vector<256x128xf32>
    %swap3A_54 = arith.constant 7 : index
    %swap3A_55 = arith.constant 0 : index
    %swap3A_56 = arith.constant 0 : index
    %swap3A_57 = vector.load %arg3[%swap3A_54, %swap3A_55, %swap3A_56] : memref<128x256x128xf32, #tpu.memory_space<vmem>>, vector<1x256x128xf32>
    %swap3A_58 = vector.shape_cast %swap3A_57 : vector<1x256x128xf32> to vector<256x128xf32>
    %swap3A_59 = vector.shape_cast %slice3A_53 : vector<256x128xf32> to vector<1x256x128xf32>
    tpu.vector_store %arg3[%swap3A_54, %swap3A_55, %swap3A_56], %swap3A_59 {strides = array<i32>} : memref<128x256x128xf32, #tpu.memory_space<vmem>>, vector<1x256x128xf32>,
    %slice3A_60 = vector.extract_strided_slice %dot_general3A_5 {offsets = [0, 1024], sizes = [256, 128], strides = [1, 1]} : vector<256x16384xf32> to vector<256x128xf32>
    %swap3A_61 = arith.constant 8 : index
    %swap3A_62 = arith.constant 0 : index
    %swap3A_63 = arith.constant 0 : index
    %swap3A_64 = vector.load %arg3[%swap3A_61, %swap3A_62, %swap3A_63] : memref<128x256x128xf32, #tpu.memory_space<vmem>>, vector<1x256x128xf32>
    %swap3A_65 = vector.shape_cast %swap3A_64 : vector<1x256x128xf32> to vector<256x128xf32>
    %swap3A_66 = vector.shape_cast %slice3A_60 : vector<256x128xf32> to vector<1x256x128xf32>
    tpu.vector_store %arg3[%swap3A_61, %swap3A_62, %swap3A_63], %swap3A_66 {strides = array<i32>} : memref<128x256x128xf32, #tpu.memory_space<vmem>>, vector<1x256x128xf32>,
    %slice3A_67 = vector.extract_strided_slice %dot_general3A_5 {offsets = [0, 1152], sizes = [256, 128], strides = [1, 1]} : vector<256x16384xf32> to vector<256x128xf32>
    %swap3A_68 = arith.constant 9 : index
    %swap3A_69 = arith.constant 0 : index
    %swap3A_70 = arith.constant 0 : index
    %swap3A_71 = vector.load %arg3[%swap3A_68, %swap3A_69, %swap3A_70] : memref<128x256x128xf32, #tpu.memory_space<vmem>>, vector<1x256x128xf32>
    %swap3A_72 = vector.shape_cast %swap3A_71 : vector<1x256x128xf32> to vector<256x128xf32>
    %swap3A_73 = vector.shape_cast %slice3A_67 : vector<256x128xf32> to vector<1x256x128xf32>
    tpu.vector_store %arg3[%swap3A_68, %swap3A_69, %swap3A_70], %swap3A_73 {strides = array<i32>} : memref<128x256x128xf32, #tpu.memory_space<vmem>>, vector<1x256x128xf32>,
    %slice3A_74 = vector.extract_strided_slice %dot_general3A_5 {offsets = [0, 1280], sizes = [256, 128], strides = [1, 1]} : vector<256x16384xf32> to vector<256x128xf32>
    %swap3A_75 = arith.constant 10 : index
    %swap3A_76 = arith.constant 0 : index
    %swap3A_77 = arith.constant 0 : index
    %swap3A_78 = vector.load %arg3[%swap3A_75, %swap3A_76, %swap3A_77] : memref<128x256x128xf32, #tpu.memory_space<vmem>>, vector<1x256x128xf32>
    %swap3A_79 = vector.shape_cast %swap3A_78 : vector<1x256x128xf32> to vector<256x128xf32>
    %swap3A_80 = vector.shape_cast %slice3A_74 : vector<256x128xf32> to vector<1x256x128xf32>
    tpu.vector_store %arg3[%swap3A_75, %swap3A_76, %swap3A_77], %swap3A_80 {strides = array<i32>} : memref<128x256x128xf32, #tpu.memory_space<vmem>>, vector<1x256x128xf32>,
    %slice3A_81 = vector.extract_strided_slice %dot_general3A_5 {offsets = [0, 1408], sizes = [256, 128], strides = [1, 1]} : vector<256x16384xf32> to vector<256x128xf32>
    %swap3A_82 = arith.constant 11 : index
    %swap3A_83 = arith.constant 0 : index
    %swap3A_84 = arith.constant 0 : index
    %swap3A_85 = vector.load %arg3[%swap3A_82, %swap3A_83, %swap3A_84] : memref<128x256x128xf32, #tpu.memory_space<vmem>>, vector<1x256x128xf32>
    %swap3A_86 = vector.shape_cast %swap3A_85 : vector<1x256x128xf32> to vector<256x128xf32>
    %swap3A_87 = vector.shape_cast %slice3A_81 : vector<256x128xf32> to vector<1x256x128xf32>
    tpu.vector_store %arg3[%swap3A_82, %swap3A_83, %swap3A_84], %swap3A_87 {strides = array<i32>} : memref<128x256x128xf32, #tpu.memory_space<vmem>>, vector<1x256x128xf32>,
    %slice3A_88 = vector.extract_strided_slice %dot_general3A_5 {offsets = [0, 1536], sizes = [256, 128], strides = [1, 1]} : vector<256x16384xf32> to vector<256x128xf32>
    %swap3A_89 = arith.constant 12 : index
    %swap3A_90 = arith.constant 0 : index
    %swap3A_91 = arith.constant 0 : index
    %swap3A_92 = vector.load %arg3[%swap3A_89, %swap3A_90, %swap3A_91] : memref<128x256x128xf32, #tpu.memory_space<vmem>>, vector<1x256x128xf32>
    %swap3A_93 = vector.shape_cast %swap3A_92 : vector<1x256x128xf32> to vector<256x128xf32>
    %swap3A_94 = vector.shape_cast %slice3A_88 : vector<256x128xf32> to vector<1x256x128xf32>
    tpu.vector_store %arg3[%swap3A_89, %swap3A_90, %swap3A_91], %swap3A_94 {strides = array<i32>} : memref<128x256x128xf32, #tpu.memory_space<vmem>>, vector<1x256x128xf32>,
    %slice3A_95 = vector.extract_strided_slice %dot_general3A_5 {offsets = [0, 1664], sizes = [256, 128], strides = [1, 1]} : vector<256x16384xf32> to vector<256x128xf32>
    %swap3A_96 = arith.constant 13 : index
    %swap3A_97 = arith.constant 0 : index
    %swap3A_98 = arith.constant 0 : index
    %swap3A_99 = vector.load %arg3[%swap3A_96, %swap3A_97, %swap3A_98] : memref<128x256x128xf32, #tpu.memory_space<vmem>>, vector<1x256x128xf32>
    %swap3A_100 = vector.shape_cast %swap3A_99 : vector<1x256x128xf32> to vector<256x128xf32>
    %swap3A_101 = vector.shape_cast %slice3A_95 : vector<256x128xf32> to vector<1x256x128xf32>
    tpu.vector_store %arg3[%swap3A_96, %swap3A_97, %swap3A_98], %swap3A_101 {strides = array<i32>} : memref<128x256x128xf32, #tpu.memory_space<vmem>>, vector<1x256x128xf32>,
    %slice3A_102 = vector.extract_strided_slice %dot_general3A_5 {offsets = [0, 1792], sizes = [256, 128], strides = [1, 1]} : vector<256x16384xf32> to vector<256x128xf32>
    %swap3A_103 = arith.constant 14 : index
    %swap3A_104 = arith.constant 0 : index
    %swap3A_105 = arith.constant 0 : index
    %swap3A_106 = vector.load %arg3[%swap3A_103, %swap3A_104, %swap3A_105] : memref<128x256x128xf32, #tpu.memory_space<vmem>>, vector<1x256x128xf32>
    %swap3A_107 = vector.shape_cast %swap3A_106 : vector<1x256x128xf32> to vector<256x128xf32>
    %swap3A_108 = vector.shape_cast %slice3A_102 : vector<256x128xf32> to vector<1x256x128xf32>
    tpu.vector_store %arg3[%swap3A_103, %swap3A_104, %swap3A_105], %swap3A_108 {strides = array<i32>} : memref<128x256x128xf32, #tpu.memory_space<vmem>>, vector<1x256x128xf32>,
    %slice3A_109 = vector.extract_strided_slice %dot_general3A_5 {offsets = [0, 1920], sizes = [256, 128], strides = [1, 1]} : vector<256x16384xf32> to vector<256x128xf32>
    %swap3A_110 = arith.constant 15 : index
    %swap3A_111 = arith.constant 0 : index
    %swap3A_112 = arith.constant 0 : index
    %swap3A_113 = vector.load %arg3[%swap3A_110, %swap3A_111, %swap3A_112] : memref<128x256x128xf32, #tpu.memory_space<vmem>>, vector<1x256x128xf32>
    %swap3A_114 = vector.shape_cast %swap3A_113 : vector<1x256x128xf32> to vector<256x128xf32>
    %swap3A_115 = vector.shape_cast %slice3A_109 : vector<256x128xf32> to vector<1x256x128xf32>
    tpu.vector_store %arg3[%swap3A_110, %swap3A_111, %swap3A_112], %swap3A_115 {strides = array<i32>} : memref<128x256x128xf32, #tpu.memory_space<vmem>>, vector<1x256x128xf32>,
    %slice3A_116 = vector.extract_strided_slice %dot_general3A_5 {offsets = [0, 2048], sizes = [256, 128], strides = [1, 1]} : vector<256x16384xf32> to vector<256x128xf32>
    %swap3A_117 = arith.constant 16 : index
    %swap3A_118 = arith.constant 0 : index
    %swap3A_119 = arith.constant 0 : index
    %swap3A_120 = vector.load %arg3[%swap3A_117, %swap3A_118, %swap3A_119] : memref<128x256x128xf32, #tpu.memory_space<vmem>>, vector<1x256x128xf32>
    %swap3A_121 = vector.shape_cast %swap3A_120 : vector<1x256x128xf32> to vector<256x128xf32>
    %swap3A_122 = vector.shape_cast %slice3A_116 : vector<256x128xf32> to vector<1x256x128xf32>
    tpu.vector_store %arg3[%swap3A_117, %swap3A_118, %swap3A_119], %swap3A_122 {strides = array<i32>} : memref<128x256x128xf32, #tpu.memory_space<vmem>>, vector<1x256x128xf32>,
    %slice3A_123 = vector.extract_strided_slice %dot_general3A_5 {offsets = [0, 2176], sizes = [256, 128], strides = [1, 1]} : vector<256x16384xf32> to vector<256x128xf32>
    %swap3A_124 = arith.constant 17 : index
    %swap3A_125 = arith.constant 0 : index
    %swap3A_126 = arith.constant 0 : index
    %swap3A_127 = vector.load %arg3[%swap3A_124, %swap3A_125, %swap3A_126] : memref<128x256x128xf32, #tpu.memory_space<vmem>>, vector<1x256x128xf32>
    %swap3A_128 = vector.shape_cast %swap3A_127 : vector<1x256x128xf32> to vector<256x128xf32>
    %swap3A_129 = vector.shape_cast %slice3A_123 : vector<256x128xf32> to vector<1x256x128xf32>
    tpu.vector_store %arg3[%swap3A_124, %swap3A_125, %swap3A_126], %swap3A_129 {strides = array<i32>} : memref<128x256x128xf32, #tpu.memory_space<vmem>>, vector<1x256x128xf32>,
    %slice3A_130 = vector.extract_strided_slice %dot_general3A_5 {offsets = [0, 2304], sizes = [256, 128], strides = [1, 1]} : vector<256x16384xf32> to vector<256x128xf32>
    %swap3A_131 = arith.constant 18 : index
    %swap3A_132 = arith.constant 0 : index
    %swap3A_133 = arith.constant 0 : index
    %swap3A_134 = vector.load %arg3[%swap3A_131, %swap3A_132, %swap3A_133] : memref<128x256x128xf32, #tpu.memory_space<vmem>>, vector<1x256x128xf32>
    %swap3A_135 = vector.shape_cast %swap3A_134 : vector<1x256x128xf32> to vector<256x128xf32>
    %swap3A_136 = vector.shape_cast %slice3A_130 : vector<256x128xf32> to vector<1x256x128xf32>
    tpu.vector_store %arg3[%swap3A_131, %swap3A_132, %swap3A_133], %swap3A_136 {strides = array<i32>} : memref<128x256x128xf32, #tpu.memory_space<vmem>>, vector<1x256x128xf32>,
    %slice3A_137 = vector.extract_strided_slice %dot_general3A_5 {offsets = [0, 2432], sizes = [256, 128], strides = [1, 1]} : vector<256x16384xf32> to vector<256x128xf32>
    %swap3A_138 = arith.constant 19 : index
    %swap3A_139 = arith.constant 0 : index
    %swap3A_140 = arith.constant 0 : index
    %swap3A_141 = vector.load %arg3[%swap3A_138, %swap3A_139, %swap3A_140] : memref<128x256x128xf32, #tpu.memory_space<vmem>>, vector<1x256x128xf32>
    %swap3A_142 = vector.shape_cast %swap3A_141 : vector<1x256x128xf32> to vector<256x128xf32>
    %swap3A_143 = vector.shape_cast %slice3A_137 : vector<256x128xf32> to vector<1x256x128xf32>
    tpu.vector_store %arg3[%swap3A_138, %swap3A_139, %swap3A_140], %swap3A_143 {strides = array<i32>} : memref<128x256x128xf32, #tpu.memory_space<vmem>>, vector<1x256x128xf32>,
    %slice3A_144 = vector.extract_strided_slice %dot_general3A_5 {offsets = [0, 2560], sizes = [256, 128], strides = [1, 1]} : vector<256x16384xf32> to vector<256x128xf32>
    %swap3A_145 = arith.constant 20 : index
    %swap3A_146 = arith.constant 0 : index
    %swap3A_147 = arith.constant 0 : index
    %swap3A_148 = vector.load %arg3[%swap3A_145, %swap3A_146, %swap3A_147] : memref<128x256x128xf32, #tpu.memory_space<vmem>>, vector<1x256x128xf32>
    %swap3A_149 = vector.shape_cast %swap3A_148 : vector<1x256x128xf32> to vector<256x128xf32>
    %swap3A_150 = vector.shape_cast %slice3A_144 : vector<256x128xf32> to vector<1x256x128xf32>
    tpu.vector_store %arg3[%swap3A_145, %swap3A_146, %swap3A_147], %swap3A_150 {strides = array<i32>} : memref<128x256x128xf32, #tpu.memory_space<vmem>>, vector<1x256x128xf32>,
    %slice3A_151 = vector.extract_strided_slice %dot_general3A_5 {offsets = [0, 2688], sizes = [256, 128], strides = [1, 1]} : vector<256x16384xf32> to vector<256x128xf32>
    %swap3A_152 = arith.constant 21 : index
    %swap3A_153 = arith.constant 0 : index
    %swap3A_154 = arith.constant 0 : index
    %swap3A_155 = vector.load %arg3[%swap3A_152, %swap3A_153, %swap3A_154] : memref<128x256x128xf32, #tpu.memory_space<vmem>>, vector<1x256x128xf32>
    %swap3A_156 = vector.shape_cast %swap3A_155 : vector<1x256x128xf32> to vector<256x128xf32>
    %swap3A_157 = vector.shape_cast %slice3A_151 : vector<256x128xf32> to vector<1x256x128xf32>
    tpu.vector_store %arg3[%swap3A_152, %swap3A_153, %swap3A_154], %swap3A_157 {strides = array<i32>} : memref<128x256x128xf32, #tpu.memory_space<vmem>>, vector<1x256x128xf32>,
    %slice3A_158 = vector.extract_strided_slice %dot_general3A_5 {offsets = [0, 2816], sizes = [256, 128], strides = [1, 1]} : vector<256x16384xf32> to vector<256x128xf32>
    %swap3A_159 = arith.constant 22 : index
    %swap3A_160 = arith.constant 0 : index
    %swap3A_161 = arith.constant 0 : index
    %swap3A_162 = vector.load %arg3[%swap3A_159, %swap3A_160, %swap3A_161] : memref<128x256x128xf32, #tpu.memory_space<vmem>>, vector<1x256x128xf32>
    %swap3A_163 = vector.shape_cast %swap3A_162 : vector<1x256x128xf32> to vector<256x128xf32>
    %swap3A_164 = vector.shape_cast %slice3A_158 : vector<256x128xf32> to vector<1x256x128xf32>
    tpu.vector_store %arg3[%swap3A_159, %swap3A_160, %swap3A_161], %swap3A_164 {strides = array<i32>} : memref<128x256x128xf32, #tpu.memory_space<vmem>>, vector<1x256x128xf32>,
    %slice3A_165 = vector.extract_strided_slice %dot_general3A_5 {offsets = [0, 2944], sizes = [256, 128], strides = [1, 1]} : vector<256x16384xf32> to vector<256x128xf32>
    %swap3A_166 = arith.constant 23 : index
    %swap3A_167 = arith.constant 0 : index
    %swap3A_168 = arith.constant 0 : index
    %swap3A_169 = vector.load %arg3[%swap3A_166, %swap3A_167, %swap3A_168] : memref<128x256x128xf32, #tpu.memory_space<vmem>>, vector<1x256x128xf32>
    %swap3A_170 = vector.shape_cast %swap3A_169 : vector<1x256x128xf32> to vector<256x128xf32>
    %swap3A_171 = vector.shape_cast %slice3A_165 : vector<256x128xf32> to vector<1x256x128xf32>
    tpu.vector_store %arg3[%swap3A_166, %swap3A_167, %swap3A_168], %swap3A_171 {strides = array<i32>} : memref<128x256x128xf32, #tpu.memory_space<vmem>>, vector<1x256x128xf32>,
    %slice3A_172 = vector.extract_strided_slice %dot_general3A_5 {offsets = [0, 3072], sizes = [256, 128], strides = [1, 1]} : vector<256x16384xf32> to vector<256x128xf32>
    %swap3A_173 = arith.constant 24 : index
    %swap3A_174 = arith.constant 0 : index
    %swap3A_175 = arith.constant 0 : index
    %swap3A_176 = vector.load %arg3[%swap3A_173, %swap3A_174, %swap3A_175] : memref<128x256x128xf32, #tpu.memory_space<vmem>>, vector<1x256x128xf32>
    %swap3A_177 = vector.shape_cast %swap3A_176 : vector<1x256x128xf32> to vector<256x128xf32>
    %swap3A_178 = vector.shape_cast %slice3A_172 : vector<256x128xf32> to vector<1x256x128xf32>
    tpu.vector_store %arg3[%swap3A_173, %swap3A_174, %swap3A_175], %swap3A_178 {strides = array<i32>} : memref<128x256x128xf32, #tpu.memory_space<vmem>>, vector<1x256x128xf32>,
    %slice3A_179 = vector.extract_strided_slice %dot_general3A_5 {offsets = [0, 3200], sizes = [256, 128], strides = [1, 1]} : vector<256x16384xf32> to vector<256x128xf32>
    %swap3A_180 = arith.constant 25 : index
    %swap3A_181 = arith.constant 0 : index
    %swap3A_182 = arith.constant 0 : index
    %swap3A_183 = vector.load %arg3[%swap3A_180, %swap3A_181, %swap3A_182] : memref<128x256x128xf32, #tpu.memory_space<vmem>>, vector<1x256x128xf32>
    %swap3A_184 = vector.shape_cast %swap3A_183 : vector<1x256x128xf32> to vector<256x128xf32>
    %swap3A_185 = vector.shape_cast %slice3A_179 : vector<256x128xf32> to vector<1x256x128xf32>
    tpu.vector_store %arg3[%swap3A_180, %swap3A_181, %swap3A_182], %swap3A_185 {strides = array<i32>} : memref<128x256x128xf32, #tpu.memory_space<vmem>>, vector<1x256x128xf32>,
    %slice3A_186 = vector.extract_strided_slice %dot_general3A_5 {offsets = [0, 3328], sizes = [256, 128], strides = [1, 1]} : vector<256x16384xf32> to vector<256x128xf32>
    %swap3A_187 = arith.constant 26 : index
    %swap3A_188 = arith.constant 0 : index
    %swap3A_189 = arith.constant 0 : index
    %swap3A_190 = vector.load %arg3[%swap3A_187, %swap3A_188, %swap3A_189] : memref<128x256x128xf32, #tpu.memory_space<vmem>>, vector<1x256x128xf32>
    %swap3A_191 = vector.shape_cast %swap3A_190 : vector<1x256x128xf32> to vector<256x128xf32>
    %swap3A_192 = vector.shape_cast %slice3A_186 : vector<256x128xf32> to vector<1x256x128xf32>
    tpu.vector_store %arg3[%swap3A_187, %swap3A_188, %swap3A_189], %swap3A_192 {strides = array<i32>} : memref<128x256x128xf32, #tpu.memory_space<vmem>>, vector<1x256x128xf32>,
    %slice3A_193 = vector.extract_strided_slice %dot_general3A_5 {offsets = [0, 3456], sizes = [256, 128], strides = [1, 1]} : vector<256x16384xf32> to vector<256x128xf32>
    %swap3A_194 = arith.constant 27 : index
    %swap3A_195 = arith.constant 0 : index
    %swap3A_196 = arith.constant 0 : index
    %swap3A_197 = vector.load %arg3[%swap3A_194, %swap3A_195, %swap3A_196] : memref<128x256x128xf32, #tpu.memory_space<vmem>>, vector<1x256x128xf32>
    %swap3A_198 = vector.shape_cast %swap3A_197 : vector<1x256x128xf32> to vector<256x128xf32>
    %swap3A_199 = vector.shape_cast %slice3A_193 : vector<256x128xf32> to vector<1x256x128xf32>
    tpu.vector_store %arg3[%swap3A_194, %swap3A_195, %swap3A_196], %swap3A_199 {strides = array<i32>} : memref<128x256x128xf32, #tpu.memory_space<vmem>>, vector<1x256x128xf32>,
    %slice3A_200 = vector.extract_strided_slice %dot_general3A_5 {offsets = [0, 3584], sizes = [256, 128], strides = [1, 1]} : vector<256x16384xf32> to vector<256x128xf32>
    %swap3A_201 = arith.constant 28 : index
    %swap3A_202 = arith.constant 0 : index
    %swap3A_203 = arith.constant 0 : index
    %swap3A_204 = vector.load %arg3[%swap3A_201, %swap3A_202, %swap3A_203] : memref<128x256x128xf32, #tpu.memory_space<vmem>>, vector<1x256x128xf32>
    %swap3A_205 = vector.shape_cast %swap3A_204 : vector<1x256x128xf32> to vector<256x128xf32>
    %swap3A_206 = vector.shape_cast %slice3A_200 : vector<256x128xf32> to vector<1x256x128xf32>
    tpu.vector_store %arg3[%swap3A_201, %swap3A_202, %swap3A_203], %swap3A_206 {strides = array<i32>} : memref<128x256x128xf32, #tpu.memory_space<vmem>>, vector<1x256x128xf32>,
    %slice3A_207 = vector.extract_strided_slice %dot_general3A_5 {offsets = [0, 3712], sizes = [256, 128], strides = [1, 1]} : vector<256x16384xf32> to vector<256x128xf32>
    %swap3A_208 = arith.constant 29 : index
    %swap3A_209 = arith.constant 0 : index
    %swap3A_210 = arith.constant 0 : index
    %swap3A_211 = vector.load %arg3[%swap3A_208, %swap3A_209, %swap3A_210] : memref<128x256x128xf32, #tpu.memory_space<vmem>>, vector<1x256x128xf32>
    %swap3A_212 = vector.shape_cast %swap3A_211 : vector<1x256x128xf32> to vector<256x128xf32>
    %swap3A_213 = vector.shape_cast %slice3A_207 : vector<256x128xf32> to vector<1x256x128xf32>
    tpu.vector_store %arg3[%swap3A_208, %swap3A_209, %swap3A_210], %swap3A_213 {strides = array<i32>} : memref<128x256x128xf32, #tpu.memory_space<vmem>>, vector<1x256x128xf32>,
    %slice3A_214 = vector.extract_strided_slice %dot_general3A_5 {offsets = [0, 3840], sizes = [256, 128], strides = [1, 1]} : vector<256x16384xf32> to vector<256x128xf32>
    %swap3A_215 = arith.constant 30 : index
    %swap3A_216 = arith.constant 0 : index
    %swap3A_217 = arith.constant 0 : index
    %swap3A_218 = vector.load %arg3[%swap3A_215, %swap3A_216, %swap3A_217] : memref<128x256x128xf32, #tpu.memory_space<vmem>>, vector<1x256x128xf32>
    %swap3A_219 = vector.shape_cast %swap3A_218 : vector<1x256x128xf32> to vector<256x128xf32>
    %swap3A_220 = vector.shape_cast %slice3A_214 : vector<256x128xf32> to vector<1x256x128xf32>
    tpu.vector_store %arg3[%swap3A_215, %swap3A_216, %swap3A_217], %swap3A_220 {strides = array<i32>} : memref<128x256x128xf32, #tpu.memory_space<vmem>>, vector<1x256x128xf32>,
    %slice3A_221 = vector.extract_strided_slice %dot_general3A_5 {offsets = [0, 3968], sizes = [256, 128], strides = [1, 1]} : vector<256x16384xf32> to vector<256x128xf32>
    %swap3A_222 = arith.constant 31 : index
    %swap3A_223 = arith.constant 0 : index
    %swap3A_224 = arith.constant 0 : index
    %swap3A_225 = vector.load %arg3[%swap3A_222, %swap3A_223, %swap3A_224] : memref<128x256x128xf32, #tpu.memory_space<vmem>>, vector<1x256x128xf32>
    %swap3A_226 = vector.shape_cast %swap3A_225 : vector<1x256x128xf32> to vector<256x128xf32>
    %swap3A_227 = vector.shape_cast %slice3A_221 : vector<256x128xf32> to vector<1x256x128xf32>
    tpu.vector_store %arg3[%swap3A_222, %swap3A_223, %swap3A_224], %swap3A_227 {strides = array<i32>} : memref<128x256x128xf32, #tpu.memory_space<vmem>>, vector<1x256x128xf32>,
    %slice3A_228 = vector.extract_strided_slice %dot_general3A_5 {offsets = [0, 4096], sizes = [256, 128], strides = [1, 1]} : vector<256x16384xf32> to vector<256x128xf32>
    %swap3A_229 = arith.constant 32 : index
    %swap3A_230 = arith.constant 0 : index
    %swap3A_231 = arith.constant 0 : index
    %swap3A_232 = vector.load %arg3[%swap3A_229, %swap3A_230, %swap3A_231] : memref<128x256x128xf32, #tpu.memory_space<vmem>>, vector<1x256x128xf32>
    %swap3A_233 = vector.shape_cast %swap3A_232 : vector<1x256x128xf32> to vector<256x128xf32>
    %swap3A_234 = vector.shape_cast %slice3A_228 : vector<256x128xf32> to vector<1x256x128xf32>
    tpu.vector_store %arg3[%swap3A_229, %swap3A_230, %swap3A_231], %swap3A_234 {strides = array<i32>} : memref<128x256x128xf32, #tpu.memory_space<vmem>>, vector<1x256x128xf32>,
    %slice3A_235 = vector.extract_strided_slice %dot_general3A_5 {offsets = [0, 4224], sizes = [256, 128], strides = [1, 1]} : vector<256x16384xf32> to vector<256x128xf32>
    %swap3A_236 = arith.constant 33 : index
    %swap3A_237 = arith.constant 0 : index
    %swap3A_238 = arith.constant 0 : index
    %swap3A_239 = vector.load %arg3[%swap3A_236, %swap3A_237, %swap3A_238] : memref<128x256x128xf32, #tpu.memory_space<vmem>>, vector<1x256x128xf32>
    %swap3A_240 = vector.shape_cast %swap3A_239 : vector<1x256x128xf32> to vector<256x128xf32>
    %swap3A_241 = vector.shape_cast %slice3A_235 : vector<256x128xf32> to vector<1x256x128xf32>
    tpu.vector_store %arg3[%swap3A_236, %swap3A_237, %swap3A_238], %swap3A_241 {strides = array<i32>} : memref<128x256x128xf32, #tpu.memory_space<vmem>>, vector<1x256x128xf32>,
    %slice3A_242 = vector.extract_strided_slice %dot_general3A_5 {offsets = [0, 4352], sizes = [256, 128], strides = [1, 1]} : vector<256x16384xf32> to vector<256x128xf32>
    %swap3A_243 = arith.constant 34 : index
    %swap3A_244 = arith.constant 0 : index
    %swap3A_245 = arith.constant 0 : index
    %swap3A_246 = vector.load %arg3[%swap3A_243, %swap3A_244, %swap3A_245] : memref<128x256x128xf32, #tpu.memory_space<vmem>>, vector<1x256x128xf32>
    %swap3A_247 = vector.shape_cast %swap3A_246 : vector<1x256x128xf32> to vector<256x128xf32>
    %swap3A_248 = vector.shape_cast %slice3A_242 : vector<256x128xf32> to vector<1x256x128xf32>
    tpu.vector_store %arg3[%swap3A_243, %swap3A_244, %swap3A_245], %swap3A_248 {strides = array<i32>} : memref<128x256x128xf32, #tpu.memory_space<vmem>>, vector<1x256x128xf32>,
    %slice3A_249 = vector.extract_strided_slice %dot_general3A_5 {offsets = [0, 4480], sizes = [256, 128], strides = [1, 1]} : vector<256x16384xf32> to vector<256x128xf32>
    %swap3A_250 = arith.constant 35 : index
    %swap3A_251 = arith.constant 0 : index
    %swap3A_252 = arith.constant 0 : index
    %swap3A_253 = vector.load %arg3[%swap3A_250, %swap3A_251, %swap3A_252] : memref<128x256x128xf32, #tpu.memory_space<vmem>>, vector<1x256x128xf32>
    %swap3A_254 = vector.shape_cast %swap3A_253 : vector<1x256x128xf32> to vector<256x128xf32>
    %swap3A_255 = vector.shape_cast %slice3A_249 : vector<256x128xf32> to vector<1x256x128xf32>
    tpu.vector_store %arg3[%swap3A_250, %swap3A_251, %swap3A_252], %swap3A_255 {strides = array<i32>} : memref<128x256x128xf32, #tpu.memory_space<vmem>>, vector<1x256x128xf32>,
    %slice3A_256 = vector.extract_strided_slice %dot_general3A_5 {offsets = [0, 4608], sizes = [256, 128], strides = [1, 1]} : vector<256x16384xf32> to vector<256x128xf32>
    %swap3A_257 = arith.constant 36 : index
    %swap3A_258 = arith.constant 0 : index
    %swap3A_259 = arith.constant 0 : index
    %swap3A_260 = vector.load %arg3[%swap3A_257, %swap3A_258, %swap3A_259] : memref<128x256x128xf32, #tpu.memory_space<vmem>>, vector<1x256x128xf32>
    %swap3A_261 = vector.shape_cast %swap3A_260 : vector<1x256x128xf32> to vector<256x128xf32>
    %swap3A_262 = vector.shape_cast %slice3A_256 : vector<256x128xf32> to vector<1x256x128xf32>
    tpu.vector_store %arg3[%swap3A_257, %swap3A_258, %swap3A_259], %swap3A_262 {strides = array<i32>} : memref<128x256x128xf32, #tpu.memory_space<vmem>>, vector<1x256x128xf32>,
    %slice3A_263 = vector.extract_strided_slice %dot_general3A_5 {offsets = [0, 4736], sizes = [256, 128], strides = [1, 1]} : vector<256x16384xf32> to vector<256x128xf32>
    %swap3A_264 = arith.constant 37 : index
    %swap3A_265 = arith.constant 0 : index
    %swap3A_266 = arith.constant 0 : index
    %swap3A_267 = vector.load %arg3[%swap3A_264, %swap3A_265, %swap3A_266] : memref<128x256x128xf32, #tpu.memory_space<vmem>>, vector<1x256x128xf32>
    %swap3A_268 = vector.shape_cast %swap3A_267 : vector<1x256x128xf32> to vector<256x128xf32>
    %swap3A_269 = vector.shape_cast %slice3A_263 : vector<256x128xf32> to vector<1x256x128xf32>
    tpu.vector_store %arg3[%swap3A_264, %swap3A_265, %swap3A_266], %swap3A_269 {strides = array<i32>} : memref<128x256x128xf32, #tpu.memory_space<vmem>>, vector<1x256x128xf32>,
    %slice3A_270 = vector.extract_strided_slice %dot_general3A_5 {offsets = [0, 4864], sizes = [256, 128], strides = [1, 1]} : vector<256x16384xf32> to vector<256x128xf32>
    %swap3A_271 = arith.constant 38 : index
    %swap3A_272 = arith.constant 0 : index
    %swap3A_273 = arith.constant 0 : index
    %swap3A_274 = vector.load %arg3[%swap3A_271, %swap3A_272, %swap3A_273] : memref<128x256x128xf32, #tpu.memory_space<vmem>>, vector<1x256x128xf32>
    %swap3A_275 = vector.shape_cast %swap3A_274 : vector<1x256x128xf32> to vector<256x128xf32>
    %swap3A_276 = vector.shape_cast %slice3A_270 : vector<256x128xf32> to vector<1x256x128xf32>
    tpu.vector_store %arg3[%swap3A_271, %swap3A_272, %swap3A_273], %swap3A_276 {strides = array<i32>} : memref<128x256x128xf32, #tpu.memory_space<vmem>>, vector<1x256x128xf32>,
    %slice3A_277 = vector.extract_strided_slice %dot_general3A_5 {offsets = [0, 4992], sizes = [256, 128], strides = [1, 1]} : vector<256x16384xf32> to vector<256x128xf32>
    %swap3A_278 = arith.constant 39 : index
    %swap3A_279 = arith.constant 0 : index
    %swap3A_280 = arith.constant 0 : index
    %swap3A_281 = vector.load %arg3[%swap3A_278, %swap3A_279, %swap3A_280] : memref<128x256x128xf32, #tpu.memory_space<vmem>>, vector<1x256x128xf32>
    %swap3A_282 = vector.shape_cast %swap3A_281 : vector<1x256x128xf32> to vector<256x128xf32>
    %swap3A_283 = vector.shape_cast %slice3A_277 : vector<256x128xf32> to vector<1x256x128xf32>
    tpu.vector_store %arg3[%swap3A_278, %swap3A_279, %swap3A_280], %swap3A_283 {strides = array<i32>} : memref<128x256x128xf32, #tpu.memory_space<vmem>>, vector<1x256x128xf32>,
    %slice3A_284 = vector.extract_strided_slice %dot_general3A_5 {offsets = [0, 5120], sizes = [256, 128], strides = [1, 1]} : vector<256x16384xf32> to vector<256x128xf32>
    %swap3A_285 = arith.constant 40 : index
    %swap3A_286 = arith.constant 0 : index
    %swap3A_287 = arith.constant 0 : index
    %swap3A_288 = vector.load %arg3[%swap3A_285, %swap3A_286, %swap3A_287] : memref<128x256x128xf32, #tpu.memory_space<vmem>>, vector<1x256x128xf32>
    %swap3A_289 = vector.shape_cast %swap3A_288 : vector<1x256x128xf32> to vector<256x128xf32>
    %swap3A_290 = vector.shape_cast %slice3A_284 : vector<256x128xf32> to vector<1x256x128xf32>
    tpu.vector_store %arg3[%swap3A_285, %swap3A_286, %swap3A_287], %swap3A_290 {strides = array<i32>} : memref<128x256x128xf32, #tpu.memory_space<vmem>>, vector<1x256x128xf32>,
    %slice3A_291 = vector.extract_strided_slice %dot_general3A_5 {offsets = [0, 5248], sizes = [256, 128], strides = [1, 1]} : vector<256x16384xf32> to vector<256x128xf32>
    %swap3A_292 = arith.constant 41 : index
    %swap3A_293 = arith.constant 0 : index
    %swap3A_294 = arith.constant 0 : index
    %swap3A_295 = vector.load %arg3[%swap3A_292, %swap3A_293, %swap3A_294] : memref<128x256x128xf32, #tpu.memory_space<vmem>>, vector<1x256x128xf32>
    %swap3A_296 = vector.shape_cast %swap3A_295 : vector<1x256x128xf32> to vector<256x128xf32>
    %swap3A_297 = vector.shape_cast %slice3A_291 : vector<256x128xf32> to vector<1x256x128xf32>
    tpu.vector_store %arg3[%swap3A_292, %swap3A_293, %swap3A_294], %swap3A_297 {strides = array<i32>} : memref<128x256x128xf32, #tpu.memory_space<vmem>>, vector<1x256x128xf32>,
    %slice3A_298 = vector.extract_strided_slice %dot_general3A_5 {offsets = [0, 5376], sizes = [256, 128], strides = [1, 1]} : vector<256x16384xf32> to vector<256x128xf32>
    %swap3A_299 = arith.constant 42 : index
    %swap3A_300 = arith.constant 0 : index
    %swap3A_301 = arith.constant 0 : index
    %swap3A_302 = vector.load %arg3[%swap3A_299, %swap3A_300, %swap3A_301] : memref<128x256x128xf32, #tpu.memory_space<vmem>>, vector<1x256x128xf32>
    %swap3A_303 = vector.shape_cast %swap3A_302 : vector<1x256x128xf32> to vector<256x128xf32>
    %swap3A_304 = vector.shape_cast %slice3A_298 : vector<256x128xf32> to vector<1x256x128xf32>
    tpu.vector_store %arg3[%swap3A_299, %swap3A_300, %swap3A_301], %swap3A_304 {strides = array<i32>} : memref<128x256x128xf32, #tpu.memory_space<vmem>>, vector<1x256x128xf32>,
    %slice3A_305 = vector.extract_strided_slice %dot_general3A_5 {offsets = [0, 5504], sizes = [256, 128], strides = [1, 1]} : vector<256x16384xf32> to vector<256x128xf32>
    %swap3A_306 = arith.constant 43 : index
    %swap3A_307 = arith.constant 0 : index
    %swap3A_308 = arith.constant 0 : index
    %swap3A_309 = vector.load %arg3[%swap3A_306, %swap3A_307, %swap3A_308] : memref<128x256x128xf32, #tpu.memory_space<vmem>>, vector<1x256x128xf32>
    %swap3A_310 = vector.shape_cast %swap3A_309 : vector<1x256x128xf32> to vector<256x128xf32>
    %swap3A_311 = vector.shape_cast %slice3A_305 : vector<256x128xf32> to vector<1x256x128xf32>
    tpu.vector_store %arg3[%swap3A_306, %swap3A_307, %swap3A_308], %swap3A_311 {strides = array<i32>} : memref<128x256x128xf32, #tpu.memory_space<vmem>>, vector<1x256x128xf32>,
    %slice3A_312 = vector.extract_strided_slice %dot_general3A_5 {offsets = [0, 5632], sizes = [256, 128], strides = [1, 1]} : vector<256x16384xf32> to vector<256x128xf32>
    %swap3A_313 = arith.constant 44 : index
    %swap3A_314 = arith.constant 0 : index
    %swap3A_315 = arith.constant 0 : index
    %swap3A_316 = vector.load %arg3[%swap3A_313, %swap3A_314, %swap3A_315] : memref<128x256x128xf32, #tpu.memory_space<vmem>>, vector<1x256x128xf32>
    %swap3A_317 = vector.shape_cast %swap3A_316 : vector<1x256x128xf32> to vector<256x128xf32>
    %swap3A_318 = vector.shape_cast %slice3A_312 : vector<256x128xf32> to vector<1x256x128xf32>
    tpu.vector_store %arg3[%swap3A_313, %swap3A_314, %swap3A_315], %swap3A_318 {strides = array<i32>} : memref<128x256x128xf32, #tpu.memory_space<vmem>>, vector<1x256x128xf32>,
    %slice3A_319 = vector.extract_strided_slice %dot_general3A_5 {offsets = [0, 5760], sizes = [256, 128], strides = [1, 1]} : vector<256x16384xf32> to vector<256x128xf32>
    %swap3A_320 = arith.constant 45 : index
    %swap3A_321 = arith.constant 0 : index
    %swap3A_322 = arith.constant 0 : index
    %swap3A_323 = vector.load %arg3[%swap3A_320, %swap3A_321, %swap3A_322] : memref<128x256x128xf32, #tpu.memory_space<vmem>>, vector<1x256x128xf32>
    %swap3A_324 = vector.shape_cast %swap3A_323 : vector<1x256x128xf32> to vector<256x128xf32>
    %swap3A_325 = vector.shape_cast %slice3A_319 : vector<256x128xf32> to vector<1x256x128xf32>
    tpu.vector_store %arg3[%swap3A_320, %swap3A_321, %swap3A_322], %swap3A_325 {strides = array<i32>} : memref<128x256x128xf32, #tpu.memory_space<vmem>>, vector<1x256x128xf32>,
    %slice3A_326 = vector.extract_strided_slice %dot_general3A_5 {offsets = [0, 5888], sizes = [256, 128], strides = [1, 1]} : vector<256x16384xf32> to vector<256x128xf32>
    %swap3A_327 = arith.constant 46 : index
    %swap3A_328 = arith.constant 0 : index
    %swap3A_329 = arith.constant 0 : index
    %swap3A_330 = vector.load %arg3[%swap3A_327, %swap3A_328, %swap3A_329] : memref<128x256x128xf32, #tpu.memory_space<vmem>>, vector<1x256x128xf32>
    %swap3A_331 = vector.shape_cast %swap3A_330 : vector<1x256x128xf32> to vector<256x128xf32>
    %swap3A_332 = vector.shape_cast %slice3A_326 : vector<256x128xf32> to vector<1x256x128xf32>
    tpu.vector_store %arg3[%swap3A_327, %swap3A_328, %swap3A_329], %swap3A_332 {strides = array<i32>} : memref<128x256x128xf32, #tpu.memory_space<vmem>>, vector<1x256x128xf32>,
    %slice3A_333 = vector.extract_strided_slice %dot_general3A_5 {offsets = [0, 6016], sizes = [256, 128], strides = [1, 1]} : vector<256x16384xf32> to vector<256x128xf32>
    %swap3A_334 = arith.constant 47 : index
    %swap3A_335 = arith.constant 0 : index
    %swap3A_336 = arith.constant 0 : index
    %swap3A_337 = vector.load %arg3[%swap3A_334, %swap3A_335, %swap3A_336] : memref<128x256x128xf32, #tpu.memory_space<vmem>>, vector<1x256x128xf32>
    %swap3A_338 = vector.shape_cast %swap3A_337 : vector<1x256x128xf32> to vector<256x128xf32>
    %swap3A_339 = vector.shape_cast %slice3A_333 : vector<256x128xf32> to vector<1x256x128xf32>
    tpu.vector_store %arg3[%swap3A_334, %swap3A_335, %swap3A_336], %swap3A_339 {strides = array<i32>} : memref<128x256x128xf32, #tpu.memory_space<vmem>>, vector<1x256x128xf32>,
    %slice3A_340 = vector.extract_strided_slice %dot_general3A_5 {offsets = [0, 6144], sizes = [256, 128], strides = [1, 1]} : vector<256x16384xf32> to vector<256x128xf32>
    %swap3A_341 = arith.constant 48 : index
    %swap3A_342 = arith.constant 0 : index
    %swap3A_343 = arith.constant 0 : index
    %swap3A_344 = vector.load %arg3[%swap3A_341, %swap3A_342, %swap3A_343] : memref<128x256x128xf32, #tpu.memory_space<vmem>>, vector<1x256x128xf32>
    %swap3A_345 = vector.shape_cast %swap3A_344 : vector<1x256x128xf32> to vector<256x128xf32>
    %swap3A_346 = vector.shape_cast %slice3A_340 : vector<256x128xf32> to vector<1x256x128xf32>
    tpu.vector_store %arg3[%swap3A_341, %swap3A_342, %swap3A_343], %swap3A_346 {strides = array<i32>} : memref<128x256x128xf32, #tpu.memory_space<vmem>>, vector<1x256x128xf32>,
    %slice3A_347 = vector.extract_strided_slice %dot_general3A_5 {offsets = [0, 6272], sizes = [256, 128], strides = [1, 1]} : vector<256x16384xf32> to vector<256x128xf32>
    %swap3A_348 = arith.constant 49 : index
    %swap3A_349 = arith.constant 0 : index
    %swap3A_350 = arith.constant 0 : index
    %swap3A_351 = vector.load %arg3[%swap3A_348, %swap3A_349, %swap3A_350] : memref<128x256x128xf32, #tpu.memory_space<vmem>>, vector<1x256x128xf32>
    %swap3A_352 = vector.shape_cast %swap3A_351 : vector<1x256x128xf32> to vector<256x128xf32>
    %swap3A_353 = vector.shape_cast %slice3A_347 : vector<256x128xf32> to vector<1x256x128xf32>
    tpu.vector_store %arg3[%swap3A_348, %swap3A_349, %swap3A_350], %swap3A_353 {strides = array<i32>} : memref<128x256x128xf32, #tpu.memory_space<vmem>>, vector<1x256x128xf32>,
    %slice3A_354 = vector.extract_strided_slice %dot_general3A_5 {offsets = [0, 6400], sizes = [256, 128], strides = [1, 1]} : vector<256x16384xf32> to vector<256x128xf32>
    %swap3A_355 = arith.constant 50 : index
    %swap3A_356 = arith.constant 0 : index
    %swap3A_357 = arith.constant 0 : index
    %swap3A_358 = vector.load %arg3[%swap3A_355, %swap3A_356, %swap3A_357] : memref<128x256x128xf32, #tpu.memory_space<vmem>>, vector<1x256x128xf32>
    %swap3A_359 = vector.shape_cast %swap3A_358 : vector<1x256x128xf32> to vector<256x128xf32>
    %swap3A_360 = vector.shape_cast %slice3A_354 : vector<256x128xf32> to vector<1x256x128xf32>
    tpu.vector_store %arg3[%swap3A_355, %swap3A_356, %swap3A_357], %swap3A_360 {strides = array<i32>} : memref<128x256x128xf32, #tpu.memory_space<vmem>>, vector<1x256x128xf32>,
    %slice3A_361 = vector.extract_strided_slice %dot_general3A_5 {offsets = [0, 6528], sizes = [256, 128], strides = [1, 1]} : vector<256x16384xf32> to vector<256x128xf32>
    %swap3A_362 = arith.constant 51 : index
    %swap3A_363 = arith.constant 0 : index
    %swap3A_364 = arith.constant 0 : index
    %swap3A_365 = vector.load %arg3[%swap3A_362, %swap3A_363, %swap3A_364] : memref<128x256x128xf32, #tpu.memory_space<vmem>>, vector<1x256x128xf32>
    %swap3A_366 = vector.shape_cast %swap3A_365 : vector<1x256x128xf32> to vector<256x128xf32>
    %swap3A_367 = vector.shape_cast %slice3A_361 : vector<256x128xf32> to vector<1x256x128xf32>
    tpu.vector_store %arg3[%swap3A_362, %swap3A_363, %swap3A_364], %swap3A_367 {strides = array<i32>} : memref<128x256x128xf32, #tpu.memory_space<vmem>>, vector<1x256x128xf32>,
    %slice3A_368 = vector.extract_strided_slice %dot_general3A_5 {offsets = [0, 6656], sizes = [256, 128], strides = [1, 1]} : vector<256x16384xf32> to vector<256x128xf32>
    %swap3A_369 = arith.constant 52 : index
    %swap3A_370 = arith.constant 0 : index
    %swap3A_371 = arith.constant 0 : index
    %swap3A_372 = vector.load %arg3[%swap3A_369, %swap3A_370, %swap3A_371] : memref<128x256x128xf32, #tpu.memory_space<vmem>>, vector<1x256x128xf32>
    %swap3A_373 = vector.shape_cast %swap3A_372 : vector<1x256x128xf32> to vector<256x128xf32>
    %swap3A_374 = vector.shape_cast %slice3A_368 : vector<256x128xf32> to vector<1x256x128xf32>
    tpu.vector_store %arg3[%swap3A_369, %swap3A_370, %swap3A_371], %swap3A_374 {strides = array<i32>} : memref<128x256x128xf32, #tpu.memory_space<vmem>>, vector<1x256x128xf32>,
    %slice3A_375 = vector.extract_strided_slice %dot_general3A_5 {offsets = [0, 6784], sizes = [256, 128], strides = [1, 1]} : vector<256x16384xf32> to vector<256x128xf32>
    %swap3A_376 = arith.constant 53 : index
    %swap3A_377 = arith.constant 0 : index
    %swap3A_378 = arith.constant 0 : index
    %swap3A_379 = vector.load %arg3[%swap3A_376, %swap3A_377, %swap3A_378] : memref<128x256x128xf32, #tpu.memory_space<vmem>>, vector<1x256x128xf32>
    %swap3A_380 = vector.shape_cast %swap3A_379 : vector<1x256x128xf32> to vector<256x128xf32>
    %swap3A_381 = vector.shape_cast %slice3A_375 : vector<256x128xf32> to vector<1x256x128xf32>
    tpu.vector_store %arg3[%swap3A_376, %swap3A_377, %swap3A_378], %swap3A_381 {strides = array<i32>} : memref<128x256x128xf32, #tpu.memory_space<vmem>>, vector<1x256x128xf32>,
    %slice3A_382 = vector.extract_strided_slice %dot_general3A_5 {offsets = [0, 6912], sizes = [256, 128], strides = [1, 1]} : vector<256x16384xf32> to vector<256x128xf32>
    %swap3A_383 = arith.constant 54 : index
    %swap3A_384 = arith.constant 0 : index
    %swap3A_385 = arith.constant 0 : index
    %swap3A_386 = vector.load %arg3[%swap3A_383, %swap3A_384, %swap3A_385] : memref<128x256x128xf32, #tpu.memory_space<vmem>>, vector<1x256x128xf32>
    %swap3A_387 = vector.shape_cast %swap3A_386 : vector<1x256x128xf32> to vector<256x128xf32>
    %swap3A_388 = vector.shape_cast %slice3A_382 : vector<256x128xf32> to vector<1x256x128xf32>
    tpu.vector_store %arg3[%swap3A_383, %swap3A_384, %swap3A_385], %swap3A_388 {strides = array<i32>} : memref<128x256x128xf32, #tpu.memory_space<vmem>>, vector<1x256x128xf32>,
    %slice3A_389 = vector.extract_strided_slice %dot_general3A_5 {offsets = [0, 7040], sizes = [256, 128], strides = [1, 1]} : vector<256x16384xf32> to vector<256x128xf32>
    %swap3A_390 = arith.constant 55 : index
    %swap3A_391 = arith.constant 0 : index
    %swap3A_392 = arith.constant 0 : index
    %swap3A_393 = vector.load %arg3[%swap3A_390, %swap3A_391, %swap3A_392] : memref<128x256x128xf32, #tpu.memory_space<vmem>>, vector<1x256x128xf32>
    %swap3A_394 = vector.shape_cast %swap3A_393 : vector<1x256x128xf32> to vector<256x128xf32>
    %swap3A_395 = vector.shape_cast %slice3A_389 : vector<256x128xf32> to vector<1x256x128xf32>
    tpu.vector_store %arg3[%swap3A_390, %swap3A_391, %swap3A_392], %swap3A_395 {strides = array<i32>} : memref<128x256x128xf32, #tpu.memory_space<vmem>>, vector<1x256x128xf32>,
    %slice3A_396 = vector.extract_strided_slice %dot_general3A_5 {offsets = [0, 7168], sizes = [256, 128], strides = [1, 1]} : vector<256x16384xf32> to vector<256x128xf32>
    %swap3A_397 = arith.constant 56 : index
    %swap3A_398 = arith.constant 0 : index
    %swap3A_399 = arith.constant 0 : index
    %swap3A_400 = vector.load %arg3[%swap3A_397, %swap3A_398, %swap3A_399] : memref<128x256x128xf32, #tpu.memory_space<vmem>>, vector<1x256x128xf32>
    %swap3A_401 = vector.shape_cast %swap3A_400 : vector<1x256x128xf32> to vector<256x128xf32>
    %swap3A_402 = vector.shape_cast %slice3A_396 : vector<256x128xf32> to vector<1x256x128xf32>
    tpu.vector_store %arg3[%swap3A_397, %swap3A_398, %swap3A_399], %swap3A_402 {strides = array<i32>} : memref<128x256x128xf32, #tpu.memory_space<vmem>>, vector<1x256x128xf32>,
    %slice3A_403 = vector.extract_strided_slice %dot_general3A_5 {offsets = [0, 7296], sizes = [256, 128], strides = [1, 1]} : vector<256x16384xf32> to vector<256x128xf32>
    %swap3A_404 = arith.constant 57 : index
    %swap3A_405 = arith.constant 0 : index
    %swap3A_406 = arith.constant 0 : index
    %swap3A_407 = vector.load %arg3[%swap3A_404, %swap3A_405, %swap3A_406] : memref<128x256x128xf32, #tpu.memory_space<vmem>>, vector<1x256x128xf32>
    %swap3A_408 = vector.shape_cast %swap3A_407 : vector<1x256x128xf32> to vector<256x128xf32>
    %swap3A_409 = vector.shape_cast %slice3A_403 : vector<256x128xf32> to vector<1x256x128xf32>
    tpu.vector_store %arg3[%swap3A_404, %swap3A_405, %swap3A_406], %swap3A_409 {strides = array<i32>} : memref<128x256x128xf32, #tpu.memory_space<vmem>>, vector<1x256x128xf32>,
    %slice3A_410 = vector.extract_strided_slice %dot_general3A_5 {offsets = [0, 7424], sizes = [256, 128], strides = [1, 1]} : vector<256x16384xf32> to vector<256x128xf32>
    %swap3A_411 = arith.constant 58 : index
    %swap3A_412 = arith.constant 0 : index
    %swap3A_413 = arith.constant 0 : index
    %swap3A_414 = vector.load %arg3[%swap3A_411, %swap3A_412, %swap3A_413] : memref<128x256x128xf32, #tpu.memory_space<vmem>>, vector<1x256x128xf32>
    %swap3A_415 = vector.shape_cast %swap3A_414 : vector<1x256x128xf32> to vector<256x128xf32>
    %swap3A_416 = vector.shape_cast %slice3A_410 : vector<256x128xf32> to vector<1x256x128xf32>
    tpu.vector_store %arg3[%swap3A_411, %swap3A_412, %swap3A_413], %swap3A_416 {strides = array<i32>} : memref<128x256x128xf32, #tpu.memory_space<vmem>>, vector<1x256x128xf32>,
    %slice3A_417 = vector.extract_strided_slice %dot_general3A_5 {offsets = [0, 7552], sizes = [256, 128], strides = [1, 1]} : vector<256x16384xf32> to vector<256x128xf32>
    %swap3A_418 = arith.constant 59 : index
    %swap3A_419 = arith.constant 0 : index
    %swap3A_420 = arith.constant 0 : index
    %swap3A_421 = vector.load %arg3[%swap3A_418, %swap3A_419, %swap3A_420] : memref<128x256x128xf32, #tpu.memory_space<vmem>>, vector<1x256x128xf32>
    %swap3A_422 = vector.shape_cast %swap3A_421 : vector<1x256x128xf32> to vector<256x128xf32>
    %swap3A_423 = vector.shape_cast %slice3A_417 : vector<256x128xf32> to vector<1x256x128xf32>
    tpu.vector_store %arg3[%swap3A_418, %swap3A_419, %swap3A_420], %swap3A_423 {strides = array<i32>} : memref<128x256x128xf32, #tpu.memory_space<vmem>>, vector<1x256x128xf32>,
    %slice3A_424 = vector.extract_strided_slice %dot_general3A_5 {offsets = [0, 7680], sizes = [256, 128], strides = [1, 1]} : vector<256x16384xf32> to vector<256x128xf32>
    %swap3A_425 = arith.constant 60 : index
    %swap3A_426 = arith.constant 0 : index
    %swap3A_427 = arith.constant 0 : index
    %swap3A_428 = vector.load %arg3[%swap3A_425, %swap3A_426, %swap3A_427] : memref<128x256x128xf32, #tpu.memory_space<vmem>>, vector<1x256x128xf32>
    %swap3A_429 = vector.shape_cast %swap3A_428 : vector<1x256x128xf32> to vector<256x128xf32>
    %swap3A_430 = vector.shape_cast %slice3A_424 : vector<256x128xf32> to vector<1x256x128xf32>
    tpu.vector_store %arg3[%swap3A_425, %swap3A_426, %swap3A_427], %swap3A_430 {strides = array<i32>} : memref<128x256x128xf32, #tpu.memory_space<vmem>>, vector<1x256x128xf32>,
    %slice3A_431 = vector.extract_strided_slice %dot_general3A_5 {offsets = [0, 7808], sizes = [256, 128], strides = [1, 1]} : vector<256x16384xf32> to vector<256x128xf32>
    %swap3A_432 = arith.constant 61 : index
    %swap3A_433 = arith.constant 0 : index
    %swap3A_434 = arith.constant 0 : index
    %swap3A_435 = vector.load %arg3[%swap3A_432, %swap3A_433, %swap3A_434] : memref<128x256x128xf32, #tpu.memory_space<vmem>>, vector<1x256x128xf32>
    %swap3A_436 = vector.shape_cast %swap3A_435 : vector<1x256x128xf32> to vector<256x128xf32>
    %swap3A_437 = vector.shape_cast %slice3A_431 : vector<256x128xf32> to vector<1x256x128xf32>
    tpu.vector_store %arg3[%swap3A_432, %swap3A_433, %swap3A_434], %swap3A_437 {strides = array<i32>} : memref<128x256x128xf32, #tpu.memory_space<vmem>>, vector<1x256x128xf32>,
    %slice3A_438 = vector.extract_strided_slice %dot_general3A_5 {offsets = [0, 7936], sizes = [256, 128], strides = [1, 1]} : vector<256x16384xf32> to vector<256x128xf32>
    %swap3A_439 = arith.constant 62 : index
    %swap3A_440 = arith.constant 0 : index
    %swap3A_441 = arith.constant 0 : index
    %swap3A_442 = vector.load %arg3[%swap3A_439, %swap3A_440, %swap3A_441] : memref<128x256x128xf32, #tpu.memory_space<vmem>>, vector<1x256x128xf32>
    %swap3A_443 = vector.shape_cast %swap3A_442 : vector<1x256x128xf32> to vector<256x128xf32>
    %swap3A_444 = vector.shape_cast %slice3A_438 : vector<256x128xf32> to vector<1x256x128xf32>
    tpu.vector_store %arg3[%swap3A_439, %swap3A_440, %swap3A_441], %swap3A_444 {strides = array<i32>} : memref<128x256x128xf32, #tpu.memory_space<vmem>>, vector<1x256x128xf32>,
    %slice3A_445 = vector.extract_strided_slice %dot_general3A_5 {offsets = [0, 8064], sizes = [256, 128], strides = [1, 1]} : vector<256x16384xf32> to vector<256x128xf32>
    %swap3A_446 = arith.constant 63 : index
    %swap3A_447 = arith.constant 0 : index
    %swap3A_448 = arith.constant 0 : index
    %swap3A_449 = vector.load %arg3[%swap3A_446, %swap3A_447, %swap3A_448] : memref<128x256x128xf32, #tpu.memory_space<vmem>>, vector<1x256x128xf32>
    %swap3A_450 = vector.shape_cast %swap3A_449 : vector<1x256x128xf32> to vector<256x128xf32>
    %swap3A_451 = vector.shape_cast %slice3A_445 : vector<256x128xf32> to vector<1x256x128xf32>
    tpu.vector_store %arg3[%swap3A_446, %swap3A_447, %swap3A_448], %swap3A_451 {strides = array<i32>} : memref<128x256x128xf32, #tpu.memory_space<vmem>>, vector<1x256x128xf32>,
    %slice3A_452 = vector.extract_strided_slice %dot_general3A_5 {offsets = [0, 8192], sizes = [256, 128], strides = [1, 1]} : vector<256x16384xf32> to vector<256x128xf32>
    %swap3A_453 = arith.constant 64 : index
    %swap3A_454 = arith.constant 0 : index
    %swap3A_455 = arith.constant 0 : index
    %swap3A_456 = vector.load %arg3[%swap3A_453, %swap3A_454, %swap3A_455] : memref<128x256x128xf32, #tpu.memory_space<vmem>>, vector<1x256x128xf32>
    %swap3A_457 = vector.shape_cast %swap3A_456 : vector<1x256x128xf32> to vector<256x128xf32>
    %swap3A_458 = vector.shape_cast %slice3A_452 : vector<256x128xf32> to vector<1x256x128xf32>
    tpu.vector_store %arg3[%swap3A_453, %swap3A_454, %swap3A_455], %swap3A_458 {strides = array<i32>} : memref<128x256x128xf32, #tpu.memory_space<vmem>>, vector<1x256x128xf32>,
    %slice3A_459 = vector.extract_strided_slice %dot_general3A_5 {offsets = [0, 8320], sizes = [256, 128], strides = [1, 1]} : vector<256x16384xf32> to vector<256x128xf32>
    %swap3A_460 = arith.constant 65 : index
    %swap3A_461 = arith.constant 0 : index
    %swap3A_462 = arith.constant 0 : index
    %swap3A_463 = vector.load %arg3[%swap3A_460, %swap3A_461, %swap3A_462] : memref<128x256x128xf32, #tpu.memory_space<vmem>>, vector<1x256x128xf32>
    %swap3A_464 = vector.shape_cast %swap3A_463 : vector<1x256x128xf32> to vector<256x128xf32>
    %swap3A_465 = vector.shape_cast %slice3A_459 : vector<256x128xf32> to vector<1x256x128xf32>
    tpu.vector_store %arg3[%swap3A_460, %swap3A_461, %swap3A_462], %swap3A_465 {strides = array<i32>} : memref<128x256x128xf32, #tpu.memory_space<vmem>>, vector<1x256x128xf32>,
    %slice3A_466 = vector.extract_strided_slice %dot_general3A_5 {offsets = [0, 8448], sizes = [256, 128], strides = [1, 1]} : vector<256x16384xf32> to vector<256x128xf32>
    %swap3A_467 = arith.constant 66 : index
    %swap3A_468 = arith.constant 0 : index
    %swap3A_469 = arith.constant 0 : index
    %swap3A_470 = vector.load %arg3[%swap3A_467, %swap3A_468, %swap3A_469] : memref<128x256x128xf32, #tpu.memory_space<vmem>>, vector<1x256x128xf32>
    %swap3A_471 = vector.shape_cast %swap3A_470 : vector<1x256x128xf32> to vector<256x128xf32>
    %swap3A_472 = vector.shape_cast %slice3A_466 : vector<256x128xf32> to vector<1x256x128xf32>
    tpu.vector_store %arg3[%swap3A_467, %swap3A_468, %swap3A_469], %swap3A_472 {strides = array<i32>} : memref<128x256x128xf32, #tpu.memory_space<vmem>>, vector<1x256x128xf32>,
    %slice3A_473 = vector.extract_strided_slice %dot_general3A_5 {offsets = [0, 8576], sizes = [256, 128], strides = [1, 1]} : vector<256x16384xf32> to vector<256x128xf32>
    %swap3A_474 = arith.constant 67 : index
    %swap3A_475 = arith.constant 0 : index
    %swap3A_476 = arith.constant 0 : index
    %swap3A_477 = vector.load %arg3[%swap3A_474, %swap3A_475, %swap3A_476] : memref<128x256x128xf32, #tpu.memory_space<vmem>>, vector<1x256x128xf32>
    %swap3A_478 = vector.shape_cast %swap3A_477 : vector<1x256x128xf32> to vector<256x128xf32>
    %swap3A_479 = vector.shape_cast %slice3A_473 : vector<256x128xf32> to vector<1x256x128xf32>
    tpu.vector_store %arg3[%swap3A_474, %swap3A_475, %swap3A_476], %swap3A_479 {strides = array<i32>} : memref<128x256x128xf32, #tpu.memory_space<vmem>>, vector<1x256x128xf32>,
    %slice3A_480 = vector.extract_strided_slice %dot_general3A_5 {offsets = [0, 8704], sizes = [256, 128], strides = [1, 1]} : vector<256x16384xf32> to vector<256x128xf32>
    %swap3A_481 = arith.constant 68 : index
    %swap3A_482 = arith.constant 0 : index
    %swap3A_483 = arith.constant 0 : index
    %swap3A_484 = vector.load %arg3[%swap3A_481, %swap3A_482, %swap3A_483] : memref<128x256x128xf32, #tpu.memory_space<vmem>>, vector<1x256x128xf32>
    %swap3A_485 = vector.shape_cast %swap3A_484 : vector<1x256x128xf32> to vector<256x128xf32>
    %swap3A_486 = vector.shape_cast %slice3A_480 : vector<256x128xf32> to vector<1x256x128xf32>
    tpu.vector_store %arg3[%swap3A_481, %swap3A_482, %swap3A_483], %swap3A_486 {strides = array<i32>} : memref<128x256x128xf32, #tpu.memory_space<vmem>>, vector<1x256x128xf32>,
    %slice3A_487 = vector.extract_strided_slice %dot_general3A_5 {offsets = [0, 8832], sizes = [256, 128], strides = [1, 1]} : vector<256x16384xf32> to vector<256x128xf32>
    %swap3A_488 = arith.constant 69 : index
    %swap3A_489 = arith.constant 0 : index
    %swap3A_490 = arith.constant 0 : index
    %swap3A_491 = vector.load %arg3[%swap3A_488, %swap3A_489, %swap3A_490] : memref<128x256x128xf32, #tpu.memory_space<vmem>>, vector<1x256x128xf32>
    %swap3A_492 = vector.shape_cast %swap3A_491 : vector<1x256x128xf32> to vector<256x128xf32>
    %swap3A_493 = vector.shape_cast %slice3A_487 : vector<256x128xf32> to vector<1x256x128xf32>
    tpu.vector_store %arg3[%swap3A_488, %swap3A_489, %swap3A_490], %swap3A_493 {strides = array<i32>} : memref<128x256x128xf32, #tpu.memory_space<vmem>>, vector<1x256x128xf32>,
    %slice3A_494 = vector.extract_strided_slice %dot_general3A_5 {offsets = [0, 8960], sizes = [256, 128], strides = [1, 1]} : vector<256x16384xf32> to vector<256x128xf32>
    %swap3A_495 = arith.constant 70 : index
    %swap3A_496 = arith.constant 0 : index
    %swap3A_497 = arith.constant 0 : index
    %swap3A_498 = vector.load %arg3[%swap3A_495, %swap3A_496, %swap3A_497] : memref<128x256x128xf32, #tpu.memory_space<vmem>>, vector<1x256x128xf32>
    %swap3A_499 = vector.shape_cast %swap3A_498 : vector<1x256x128xf32> to vector<256x128xf32>
    %swap3A_500 = vector.shape_cast %slice3A_494 : vector<256x128xf32> to vector<1x256x128xf32>
    tpu.vector_store %arg3[%swap3A_495, %swap3A_496, %swap3A_497], %swap3A_500 {strides = array<i32>} : memref<128x256x128xf32, #tpu.memory_space<vmem>>, vector<1x256x128xf32>,
    %slice3A_501 = vector.extract_strided_slice %dot_general3A_5 {offsets = [0, 9088], sizes = [256, 128], strides = [1, 1]} : vector<256x16384xf32> to vector<256x128xf32>
    %swap3A_502 = arith.constant 71 : index
    %swap3A_503 = arith.constant 0 : index
    %swap3A_504 = arith.constant 0 : index
    %swap3A_505 = vector.load %arg3[%swap3A_502, %swap3A_503, %swap3A_504] : memref<128x256x128xf32, #tpu.memory_space<vmem>>, vector<1x256x128xf32>
    %swap3A_506 = vector.shape_cast %swap3A_505 : vector<1x256x128xf32> to vector<256x128xf32>
    %swap3A_507 = vector.shape_cast %slice3A_501 : vector<256x128xf32> to vector<1x256x128xf32>
    tpu.vector_store %arg3[%swap3A_502, %swap3A_503, %swap3A_504], %swap3A_507 {strides = array<i32>} : memref<128x256x128xf32, #tpu.memory_space<vmem>>, vector<1x256x128xf32>,
    %slice3A_508 = vector.extract_strided_slice %dot_general3A_5 {offsets = [0, 9216], sizes = [256, 128], strides = [1, 1]} : vector<256x16384xf32> to vector<256x128xf32>
    %swap3A_509 = arith.constant 72 : index
    %swap3A_510 = arith.constant 0 : index
    %swap3A_511 = arith.constant 0 : index
    %swap3A_512 = vector.load %arg3[%swap3A_509, %swap3A_510, %swap3A_511] : memref<128x256x128xf32, #tpu.memory_space<vmem>>, vector<1x256x128xf32>
    %swap3A_513 = vector.shape_cast %swap3A_512 : vector<1x256x128xf32> to vector<256x128xf32>
    %swap3A_514 = vector.shape_cast %slice3A_508 : vector<256x128xf32> to vector<1x256x128xf32>
    tpu.vector_store %arg3[%swap3A_509, %swap3A_510, %swap3A_511], %swap3A_514 {strides = array<i32>} : memref<128x256x128xf32, #tpu.memory_space<vmem>>, vector<1x256x128xf32>,
    %slice3A_515 = vector.extract_strided_slice %dot_general3A_5 {offsets = [0, 9344], sizes = [256, 128], strides = [1, 1]} : vector<256x16384xf32> to vector<256x128xf32>
    %swap3A_516 = arith.constant 73 : index
    %swap3A_517 = arith.constant 0 : index
    %swap3A_518 = arith.constant 0 : index
    %swap3A_519 = vector.load %arg3[%swap3A_516, %swap3A_517, %swap3A_518] : memref<128x256x128xf32, #tpu.memory_space<vmem>>, vector<1x256x128xf32>
    %swap3A_520 = vector.shape_cast %swap3A_519 : vector<1x256x128xf32> to vector<256x128xf32>
    %swap3A_521 = vector.shape_cast %slice3A_515 : vector<256x128xf32> to vector<1x256x128xf32>
    tpu.vector_store %arg3[%swap3A_516, %swap3A_517, %swap3A_518], %swap3A_521 {strides = array<i32>} : memref<128x256x128xf32, #tpu.memory_space<vmem>>, vector<1x256x128xf32>,
    %slice3A_522 = vector.extract_strided_slice %dot_general3A_5 {offsets = [0, 9472], sizes = [256, 128], strides = [1, 1]} : vector<256x16384xf32> to vector<256x128xf32>
    %swap3A_523 = arith.constant 74 : index
    %swap3A_524 = arith.constant 0 : index
    %swap3A_525 = arith.constant 0 : index
    %swap3A_526 = vector.load %arg3[%swap3A_523, %swap3A_524, %swap3A_525] : memref<128x256x128xf32, #tpu.memory_space<vmem>>, vector<1x256x128xf32>
    %swap3A_527 = vector.shape_cast %swap3A_526 : vector<1x256x128xf32> to vector<256x128xf32>
    %swap3A_528 = vector.shape_cast %slice3A_522 : vector<256x128xf32> to vector<1x256x128xf32>
    tpu.vector_store %arg3[%swap3A_523, %swap3A_524, %swap3A_525], %swap3A_528 {strides = array<i32>} : memref<128x256x128xf32, #tpu.memory_space<vmem>>, vector<1x256x128xf32>,
    %slice3A_529 = vector.extract_strided_slice %dot_general3A_5 {offsets = [0, 9600], sizes = [256, 128], strides = [1, 1]} : vector<256x16384xf32> to vector<256x128xf32>
    %swap3A_530 = arith.constant 75 : index
    %swap3A_531 = arith.constant 0 : index
    %swap3A_532 = arith.constant 0 : index
    %swap3A_533 = vector.load %arg3[%swap3A_530, %swap3A_531, %swap3A_532] : memref<128x256x128xf32, #tpu.memory_space<vmem>>, vector<1x256x128xf32>
    %swap3A_534 = vector.shape_cast %swap3A_533 : vector<1x256x128xf32> to vector<256x128xf32>
    %swap3A_535 = vector.shape_cast %slice3A_529 : vector<256x128xf32> to vector<1x256x128xf32>
    tpu.vector_store %arg3[%swap3A_530, %swap3A_531, %swap3A_532], %swap3A_535 {strides = array<i32>} : memref<128x256x128xf32, #tpu.memory_space<vmem>>, vector<1x256x128xf32>,
    %slice3A_536 = vector.extract_strided_slice %dot_general3A_5 {offsets = [0, 9728], sizes = [256, 128], strides = [1, 1]} : vector<256x16384xf32> to vector<256x128xf32>
    %swap3A_537 = arith.constant 76 : index
    %swap3A_538 = arith.constant 0 : index
    %swap3A_539 = arith.constant 0 : index
    %swap3A_540 = vector.load %arg3[%swap3A_537, %swap3A_538, %swap3A_539] : memref<128x256x128xf32, #tpu.memory_space<vmem>>, vector<1x256x128xf32>
    %swap3A_541 = vector.shape_cast %swap3A_540 : vector<1x256x128xf32> to vector<256x128xf32>
    %swap3A_542 = vector.shape_cast %slice3A_536 : vector<256x128xf32> to vector<1x256x128xf32>
    tpu.vector_store %arg3[%swap3A_537, %swap3A_538, %swap3A_539], %swap3A_542 {strides = array<i32>} : memref<128x256x128xf32, #tpu.memory_space<vmem>>, vector<1x256x128xf32>,
    %slice3A_543 = vector.extract_strided_slice %dot_general3A_5 {offsets = [0, 9856], sizes = [256, 128], strides = [1, 1]} : vector<256x16384xf32> to vector<256x128xf32>
    %swap3A_544 = arith.constant 77 : index
    %swap3A_545 = arith.constant 0 : index
    %swap3A_546 = arith.constant 0 : index
    %swap3A_547 = vector.load %arg3[%swap3A_544, %swap3A_545, %swap3A_546] : memref<128x256x128xf32, #tpu.memory_space<vmem>>, vector<1x256x128xf32>
    %swap3A_548 = vector.shape_cast %swap3A_547 : vector<1x256x128xf32> to vector<256x128xf32>
    %swap3A_549 = vector.shape_cast %slice3A_543 : vector<256x128xf32> to vector<1x256x128xf32>
    tpu.vector_store %arg3[%swap3A_544, %swap3A_545, %swap3A_546], %swap3A_549 {strides = array<i32>} : memref<128x256x128xf32, #tpu.memory_space<vmem>>, vector<1x256x128xf32>,
    %slice3A_550 = vector.extract_strided_slice %dot_general3A_5 {offsets = [0, 9984], sizes = [256, 128], strides = [1, 1]} : vector<256x16384xf32> to vector<256x128xf32>
    %swap3A_551 = arith.constant 78 : index
    %swap3A_552 = arith.constant 0 : index
    %swap3A_553 = arith.constant 0 : index
    %swap3A_554 = vector.load %arg3[%swap3A_551, %swap3A_552, %swap3A_553] : memref<128x256x128xf32, #tpu.memory_space<vmem>>, vector<1x256x128xf32>
    %swap3A_555 = vector.shape_cast %swap3A_554 : vector<1x256x128xf32> to vector<256x128xf32>
    %swap3A_556 = vector.shape_cast %slice3A_550 : vector<256x128xf32> to vector<1x256x128xf32>
    tpu.vector_store %arg3[%swap3A_551, %swap3A_552, %swap3A_553], %swap3A_556 {strides = array<i32>} : memref<128x256x128xf32, #tpu.memory_space<vmem>>, vector<1x256x128xf32>,
    %slice3A_557 = vector.extract_strided_slice %dot_general3A_5 {offsets = [0, 10112], sizes = [256, 128], strides = [1, 1]} : vector<256x16384xf32> to vector<256x128xf32>
    %swap3A_558 = arith.constant 79 : index
    %swap3A_559 = arith.constant 0 : index
    %swap3A_560 = arith.constant 0 : index
    %swap3A_561 = vector.load %arg3[%swap3A_558, %swap3A_559, %swap3A_560] : memref<128x256x128xf32, #tpu.memory_space<vmem>>, vector<1x256x128xf32>
    %swap3A_562 = vector.shape_cast %swap3A_561 : vector<1x256x128xf32> to vector<256x128xf32>
    %swap3A_563 = vector.shape_cast %slice3A_557 : vector<256x128xf32> to vector<1x256x128xf32>
    tpu.vector_store %arg3[%swap3A_558, %swap3A_559, %swap3A_560], %swap3A_563 {strides = array<i32>} : memref<128x256x128xf32, #tpu.memory_space<vmem>>, vector<1x256x128xf32>,
    %slice3A_564 = vector.extract_strided_slice %dot_general3A_5 {offsets = [0, 10240], sizes = [256, 128], strides = [1, 1]} : vector<256x16384xf32> to vector<256x128xf32>
    %swap3A_565 = arith.constant 80 : index
    %swap3A_566 = arith.constant 0 : index
    %swap3A_567 = arith.constant 0 : index
    %swap3A_568 = vector.load %arg3[%swap3A_565, %swap3A_566, %swap3A_567] : memref<128x256x128xf32, #tpu.memory_space<vmem>>, vector<1x256x128xf32>
    %swap3A_569 = vector.shape_cast %swap3A_568 : vector<1x256x128xf32> to vector<256x128xf32>
    %swap3A_570 = vector.shape_cast %slice3A_564 : vector<256x128xf32> to vector<1x256x128xf32>
    tpu.vector_store %arg3[%swap3A_565, %swap3A_566, %swap3A_567], %swap3A_570 {strides = array<i32>} : memref<128x256x128xf32, #tpu.memory_space<vmem>>, vector<1x256x128xf32>,
    %slice3A_571 = vector.extract_strided_slice %dot_general3A_5 {offsets = [0, 10368], sizes = [256, 128], strides = [1, 1]} : vector<256x16384xf32> to vector<256x128xf32>
    %swap3A_572 = arith.constant 81 : index
    %swap3A_573 = arith.constant 0 : index
    %swap3A_574 = arith.constant 0 : index
    %swap3A_575 = vector.load %arg3[%swap3A_572, %swap3A_573, %swap3A_574] : memref<128x256x128xf32, #tpu.memory_space<vmem>>, vector<1x256x128xf32>
    %swap3A_576 = vector.shape_cast %swap3A_575 : vector<1x256x128xf32> to vector<256x128xf32>
    %swap3A_577 = vector.shape_cast %slice3A_571 : vector<256x128xf32> to vector<1x256x128xf32>
    tpu.vector_store %arg3[%swap3A_572, %swap3A_573, %swap3A_574], %swap3A_577 {strides = array<i32>} : memref<128x256x128xf32, #tpu.memory_space<vmem>>, vector<1x256x128xf32>,
    %slice3A_578 = vector.extract_strided_slice %dot_general3A_5 {offsets = [0, 10496], sizes = [256, 128], strides = [1, 1]} : vector<256x16384xf32> to vector<256x128xf32>
    %swap3A_579 = arith.constant 82 : index
    %swap3A_580 = arith.constant 0 : index
    %swap3A_581 = arith.constant 0 : index
    %swap3A_582 = vector.load %arg3[%swap3A_579, %swap3A_580, %swap3A_581] : memref<128x256x128xf32, #tpu.memory_space<vmem>>, vector<1x256x128xf32>
    %swap3A_583 = vector.shape_cast %swap3A_582 : vector<1x256x128xf32> to vector<256x128xf32>
    %swap3A_584 = vector.shape_cast %slice3A_578 : vector<256x128xf32> to vector<1x256x128xf32>
    tpu.vector_store %arg3[%swap3A_579, %swap3A_580, %swap3A_581], %swap3A_584 {strides = array<i32>} : memref<128x256x128xf32, #tpu.memory_space<vmem>>, vector<1x256x128xf32>,
    %slice3A_585 = vector.extract_strided_slice %dot_general3A_5 {offsets = [0, 10624], sizes = [256, 128], strides = [1, 1]} : vector<256x16384xf32> to vector<256x128xf32>
    %swap3A_586 = arith.constant 83 : index
    %swap3A_587 = arith.constant 0 : index
    %swap3A_588 = arith.constant 0 : index
    %swap3A_589 = vector.load %arg3[%swap3A_586, %swap3A_587, %swap3A_588] : memref<128x256x128xf32, #tpu.memory_space<vmem>>, vector<1x256x128xf32>
    %swap3A_590 = vector.shape_cast %swap3A_589 : vector<1x256x128xf32> to vector<256x128xf32>
    %swap3A_591 = vector.shape_cast %slice3A_585 : vector<256x128xf32> to vector<1x256x128xf32>
    tpu.vector_store %arg3[%swap3A_586, %swap3A_587, %swap3A_588], %swap3A_591 {strides = array<i32>} : memref<128x256x128xf32, #tpu.memory_space<vmem>>, vector<1x256x128xf32>,
    %slice3A_592 = vector.extract_strided_slice %dot_general3A_5 {offsets = [0, 10752], sizes = [256, 128], strides = [1, 1]} : vector<256x16384xf32> to vector<256x128xf32>
    %swap3A_593 = arith.constant 84 : index
    %swap3A_594 = arith.constant 0 : index
    %swap3A_595 = arith.constant 0 : index
    %swap3A_596 = vector.load %arg3[%swap3A_593, %swap3A_594, %swap3A_595] : memref<128x256x128xf32, #tpu.memory_space<vmem>>, vector<1x256x128xf32>
    %swap3A_597 = vector.shape_cast %swap3A_596 : vector<1x256x128xf32> to vector<256x128xf32>
    %swap3A_598 = vector.shape_cast %slice3A_592 : vector<256x128xf32> to vector<1x256x128xf32>
    tpu.vector_store %arg3[%swap3A_593, %swap3A_594, %swap3A_595], %swap3A_598 {strides = array<i32>} : memref<128x256x128xf32, #tpu.memory_space<vmem>>, vector<1x256x128xf32>,
    %slice3A_599 = vector.extract_strided_slice %dot_general3A_5 {offsets = [0, 10880], sizes = [256, 128], strides = [1, 1]} : vector<256x16384xf32> to vector<256x128xf32>
    %swap3A_600 = arith.constant 85 : index
    %swap3A_601 = arith.constant 0 : index
    %swap3A_602 = arith.constant 0 : index
    %swap3A_603 = vector.load %arg3[%swap3A_600, %swap3A_601, %swap3A_602] : memref<128x256x128xf32, #tpu.memory_space<vmem>>, vector<1x256x128xf32>
    %swap3A_604 = vector.shape_cast %swap3A_603 : vector<1x256x128xf32> to vector<256x128xf32>
    %swap3A_605 = vector.shape_cast %slice3A_599 : vector<256x128xf32> to vector<1x256x128xf32>
    tpu.vector_store %arg3[%swap3A_600, %swap3A_601, %swap3A_602], %swap3A_605 {strides = array<i32>} : memref<128x256x128xf32, #tpu.memory_space<vmem>>, vector<1x256x128xf32>,
    %slice3A_606 = vector.extract_strided_slice %dot_general3A_5 {offsets = [0, 11008], sizes = [256, 128], strides = [1, 1]} : vector<256x16384xf32> to vector<256x128xf32>
    %swap3A_607 = arith.constant 86 : index
    %swap3A_608 = arith.constant 0 : index
    %swap3A_609 = arith.constant 0 : index
    %swap3A_610 = vector.load %arg3[%swap3A_607, %swap3A_608, %swap3A_609] : memref<128x256x128xf32, #tpu.memory_space<vmem>>, vector<1x256x128xf32>
    %swap3A_611 = vector.shape_cast %swap3A_610 : vector<1x256x128xf32> to vector<256x128xf32>
    %swap3A_612 = vector.shape_cast %slice3A_606 : vector<256x128xf32> to vector<1x256x128xf32>
    tpu.vector_store %arg3[%swap3A_607, %swap3A_608, %swap3A_609], %swap3A_612 {strides = array<i32>} : memref<128x256x128xf32, #tpu.memory_space<vmem>>, vector<1x256x128xf32>,
    %slice3A_613 = vector.extract_strided_slice %dot_general3A_5 {offsets = [0, 11136], sizes = [256, 128], strides = [1, 1]} : vector<256x16384xf32> to vector<256x128xf32>
    %swap3A_614 = arith.constant 87 : index
    %swap3A_615 = arith.constant 0 : index
    %swap3A_616 = arith.constant 0 : index
    %swap3A_617 = vector.load %arg3[%swap3A_614, %swap3A_615, %swap3A_616] : memref<128x256x128xf32, #tpu.memory_space<vmem>>, vector<1x256x128xf32>
    %swap3A_618 = vector.shape_cast %swap3A_617 : vector<1x256x128xf32> to vector<256x128xf32>
    %swap3A_619 = vector.shape_cast %slice3A_613 : vector<256x128xf32> to vector<1x256x128xf32>
    tpu.vector_store %arg3[%swap3A_614, %swap3A_615, %swap3A_616], %swap3A_619 {strides = array<i32>} : memref<128x256x128xf32, #tpu.memory_space<vmem>>, vector<1x256x128xf32>,
    %slice3A_620 = vector.extract_strided_slice %dot_general3A_5 {offsets = [0, 11264], sizes = [256, 128], strides = [1, 1]} : vector<256x16384xf32> to vector<256x128xf32>
    %swap3A_621 = arith.constant 88 : index
    %swap3A_622 = arith.constant 0 : index
    %swap3A_623 = arith.constant 0 : index
    %swap3A_624 = vector.load %arg3[%swap3A_621, %swap3A_622, %swap3A_623] : memref<128x256x128xf32, #tpu.memory_space<vmem>>, vector<1x256x128xf32>
    %swap3A_625 = vector.shape_cast %swap3A_624 : vector<1x256x128xf32> to vector<256x128xf32>
    %swap3A_626 = vector.shape_cast %slice3A_620 : vector<256x128xf32> to vector<1x256x128xf32>
    tpu.vector_store %arg3[%swap3A_621, %swap3A_622, %swap3A_623], %swap3A_626 {strides = array<i32>} : memref<128x256x128xf32, #tpu.memory_space<vmem>>, vector<1x256x128xf32>,
    %slice3A_627 = vector.extract_strided_slice %dot_general3A_5 {offsets = [0, 11392], sizes = [256, 128], strides = [1, 1]} : vector<256x16384xf32> to vector<256x128xf32>
    %swap3A_628 = arith.constant 89 : index
    %swap3A_629 = arith.constant 0 : index
    %swap3A_630 = arith.constant 0 : index
    %swap3A_631 = vector.load %arg3[%swap3A_628, %swap3A_629, %swap3A_630] : memref<128x256x128xf32, #tpu.memory_space<vmem>>, vector<1x256x128xf32>
    %swap3A_632 = vector.shape_cast %swap3A_631 : vector<1x256x128xf32> to vector<256x128xf32>
    %swap3A_633 = vector.shape_cast %slice3A_627 : vector<256x128xf32> to vector<1x256x128xf32>
    tpu.vector_store %arg3[%swap3A_628, %swap3A_629, %swap3A_630], %swap3A_633 {strides = array<i32>} : memref<128x256x128xf32, #tpu.memory_space<vmem>>, vector<1x256x128xf32>,
    %slice3A_634 = vector.extract_strided_slice %dot_general3A_5 {offsets = [0, 11520], sizes = [256, 128], strides = [1, 1]} : vector<256x16384xf32> to vector<256x128xf32>
    %swap3A_635 = arith.constant 90 : index
    %swap3A_636 = arith.constant 0 : index
    %swap3A_637 = arith.constant 0 : index
    %swap3A_638 = vector.load %arg3[%swap3A_635, %swap3A_636, %swap3A_637] : memref<128x256x128xf32, #tpu.memory_space<vmem>>, vector<1x256x128xf32>
    %swap3A_639 = vector.shape_cast %swap3A_638 : vector<1x256x128xf32> to vector<256x128xf32>
    %swap3A_640 = vector.shape_cast %slice3A_634 : vector<256x128xf32> to vector<1x256x128xf32>
    tpu.vector_store %arg3[%swap3A_635, %swap3A_636, %swap3A_637], %swap3A_640 {strides = array<i32>} : memref<128x256x128xf32, #tpu.memory_space<vmem>>, vector<1x256x128xf32>,
    %slice3A_641 = vector.extract_strided_slice %dot_general3A_5 {offsets = [0, 11648], sizes = [256, 128], strides = [1, 1]} : vector<256x16384xf32> to vector<256x128xf32>
    %swap3A_642 = arith.constant 91 : index
    %swap3A_643 = arith.constant 0 : index
    %swap3A_644 = arith.constant 0 : index
    %swap3A_645 = vector.load %arg3[%swap3A_642, %swap3A_643, %swap3A_644] : memref<128x256x128xf32, #tpu.memory_space<vmem>>, vector<1x256x128xf32>
    %swap3A_646 = vector.shape_cast %swap3A_645 : vector<1x256x128xf32> to vector<256x128xf32>
    %swap3A_647 = vector.shape_cast %slice3A_641 : vector<256x128xf32> to vector<1x256x128xf32>
    tpu.vector_store %arg3[%swap3A_642, %swap3A_643, %swap3A_644], %swap3A_647 {strides = array<i32>} : memref<128x256x128xf32, #tpu.memory_space<vmem>>, vector<1x256x128xf32>,
    %slice3A_648 = vector.extract_strided_slice %dot_general3A_5 {offsets = [0, 11776], sizes = [256, 128], strides = [1, 1]} : vector<256x16384xf32> to vector<256x128xf32>
    %swap3A_649 = arith.constant 92 : index
    %swap3A_650 = arith.constant 0 : index
    %swap3A_651 = arith.constant 0 : index
    %swap3A_652 = vector.load %arg3[%swap3A_649, %swap3A_650, %swap3A_651] : memref<128x256x128xf32, #tpu.memory_space<vmem>>, vector<1x256x128xf32>
    %swap3A_653 = vector.shape_cast %swap3A_652 : vector<1x256x128xf32> to vector<256x128xf32>
    %swap3A_654 = vector.shape_cast %slice3A_648 : vector<256x128xf32> to vector<1x256x128xf32>
    tpu.vector_store %arg3[%swap3A_649, %swap3A_650, %swap3A_651], %swap3A_654 {strides = array<i32>} : memref<128x256x128xf32, #tpu.memory_space<vmem>>, vector<1x256x128xf32>,
    %slice3A_655 = vector.extract_strided_slice %dot_general3A_5 {offsets = [0, 11904], sizes = [256, 128], strides = [1, 1]} : vector<256x16384xf32> to vector<256x128xf32>
    %swap3A_656 = arith.constant 93 : index
    %swap3A_657 = arith.constant 0 : index
    %swap3A_658 = arith.constant 0 : index
    %swap3A_659 = vector.load %arg3[%swap3A_656, %swap3A_657, %swap3A_658] : memref<128x256x128xf32, #tpu.memory_space<vmem>>, vector<1x256x128xf32>
    %swap3A_660 = vector.shape_cast %swap3A_659 : vector<1x256x128xf32> to vector<256x128xf32>
    %swap3A_661 = vector.shape_cast %slice3A_655 : vector<256x128xf32> to vector<1x256x128xf32>
    tpu.vector_store %arg3[%swap3A_656, %swap3A_657, %swap3A_658], %swap3A_661 {strides = array<i32>} : memref<128x256x128xf32, #tpu.memory_space<vmem>>, vector<1x256x128xf32>,
    %slice3A_662 = vector.extract_strided_slice %dot_general3A_5 {offsets = [0, 12032], sizes = [256, 128], strides = [1, 1]} : vector<256x16384xf32> to vector<256x128xf32>
    %swap3A_663 = arith.constant 94 : index
    %swap3A_664 = arith.constant 0 : index
    %swap3A_665 = arith.constant 0 : index
    %swap3A_666 = vector.load %arg3[%swap3A_663, %swap3A_664, %swap3A_665] : memref<128x256x128xf32, #tpu.memory_space<vmem>>, vector<1x256x128xf32>
    %swap3A_667 = vector.shape_cast %swap3A_666 : vector<1x256x128xf32> to vector<256x128xf32>
    %swap3A_668 = vector.shape_cast %slice3A_662 : vector<256x128xf32> to vector<1x256x128xf32>
    tpu.vector_store %arg3[%swap3A_663, %swap3A_664, %swap3A_665], %swap3A_668 {strides = array<i32>} : memref<128x256x128xf32, #tpu.memory_space<vmem>>, vector<1x256x128xf32>,
    %slice3A_669 = vector.extract_strided_slice %dot_general3A_5 {offsets = [0, 12160], sizes = [256, 128], strides = [1, 1]} : vector<256x16384xf32> to vector<256x128xf32>
    %swap3A_670 = arith.constant 95 : index
    %swap3A_671 = arith.constant 0 : index
    %swap3A_672 = arith.constant 0 : index
    %swap3A_673 = vector.load %arg3[%swap3A_670, %swap3A_671, %swap3A_672] : memref<128x256x128xf32, #tpu.memory_space<vmem>>, vector<1x256x128xf32>
    %swap3A_674 = vector.shape_cast %swap3A_673 : vector<1x256x128xf32> to vector<256x128xf32>
    %swap3A_675 = vector.shape_cast %slice3A_669 : vector<256x128xf32> to vector<1x256x128xf32>
    tpu.vector_store %arg3[%swap3A_670, %swap3A_671, %swap3A_672], %swap3A_675 {strides = array<i32>} : memref<128x256x128xf32, #tpu.memory_space<vmem>>, vector<1x256x128xf32>,
    %slice3A_676 = vector.extract_strided_slice %dot_general3A_5 {offsets = [0, 12288], sizes = [256, 128], strides = [1, 1]} : vector<256x16384xf32> to vector<256x128xf32>
    %swap3A_677 = arith.constant 96 : index
    %swap3A_678 = arith.constant 0 : index
    %swap3A_679 = arith.constant 0 : index
    %swap3A_680 = vector.load %arg3[%swap3A_677, %swap3A_678, %swap3A_679] : memref<128x256x128xf32, #tpu.memory_space<vmem>>, vector<1x256x128xf32>
    %swap3A_681 = vector.shape_cast %swap3A_680 : vector<1x256x128xf32> to vector<256x128xf32>
    %swap3A_682 = vector.shape_cast %slice3A_676 : vector<256x128xf32> to vector<1x256x128xf32>
    tpu.vector_store %arg3[%swap3A_677, %swap3A_678, %swap3A_679], %swap3A_682 {strides = array<i32>} : memref<128x256x128xf32, #tpu.memory_space<vmem>>, vector<1x256x128xf32>,
    %slice3A_683 = vector.extract_strided_slice %dot_general3A_5 {offsets = [0, 12416], sizes = [256, 128], strides = [1, 1]} : vector<256x16384xf32> to vector<256x128xf32>
    %swap3A_684 = arith.constant 97 : index
    %swap3A_685 = arith.constant 0 : index
    %swap3A_686 = arith.constant 0 : index
    %swap3A_687 = vector.load %arg3[%swap3A_684, %swap3A_685, %swap3A_686] : memref<128x256x128xf32, #tpu.memory_space<vmem>>, vector<1x256x128xf32>
    %swap3A_688 = vector.shape_cast %swap3A_687 : vector<1x256x128xf32> to vector<256x128xf32>
    %swap3A_689 = vector.shape_cast %slice3A_683 : vector<256x128xf32> to vector<1x256x128xf32>
    tpu.vector_store %arg3[%swap3A_684, %swap3A_685, %swap3A_686], %swap3A_689 {strides = array<i32>} : memref<128x256x128xf32, #tpu.memory_space<vmem>>, vector<1x256x128xf32>,
    %slice3A_690 = vector.extract_strided_slice %dot_general3A_5 {offsets = [0, 12544], sizes = [256, 128], strides = [1, 1]} : vector<256x16384xf32> to vector<256x128xf32>
    %swap3A_691 = arith.constant 98 : index
    %swap3A_692 = arith.constant 0 : index
    %swap3A_693 = arith.constant 0 : index
    %swap3A_694 = vector.load %arg3[%swap3A_691, %swap3A_692, %swap3A_693] : memref<128x256x128xf32, #tpu.memory_space<vmem>>, vector<1x256x128xf32>
    %swap3A_695 = vector.shape_cast %swap3A_694 : vector<1x256x128xf32> to vector<256x128xf32>
    %swap3A_696 = vector.shape_cast %slice3A_690 : vector<256x128xf32> to vector<1x256x128xf32>
    tpu.vector_store %arg3[%swap3A_691, %swap3A_692, %swap3A_693], %swap3A_696 {strides = array<i32>} : memref<128x256x128xf32, #tpu.memory_space<vmem>>, vector<1x256x128xf32>,
    %slice3A_697 = vector.extract_strided_slice %dot_general3A_5 {offsets = [0, 12672], sizes = [256, 128], strides = [1, 1]} : vector<256x16384xf32> to vector<256x128xf32>
    %swap3A_698 = arith.constant 99 : index
    %swap3A_699 = arith.constant 0 : index
    %swap3A_700 = arith.constant 0 : index
    %swap3A_701 = vector.load %arg3[%swap3A_698, %swap3A_699, %swap3A_700] : memref<128x256x128xf32, #tpu.memory_space<vmem>>, vector<1x256x128xf32>
    %swap3A_702 = vector.shape_cast %swap3A_701 : vector<1x256x128xf32> to vector<256x128xf32>
    %swap3A_703 = vector.shape_cast %slice3A_697 : vector<256x128xf32> to vector<1x256x128xf32>
    tpu.vector_store %arg3[%swap3A_698, %swap3A_699, %swap3A_700], %swap3A_703 {strides = array<i32>} : memref<128x256x128xf32, #tpu.memory_space<vmem>>, vector<1x256x128xf32>,
    %slice3A_704 = vector.extract_strided_slice %dot_general3A_5 {offsets = [0, 12800], sizes = [256, 128], strides = [1, 1]} : vector<256x16384xf32> to vector<256x128xf32>
    %swap3A_705 = arith.constant 100 : index
    %swap3A_706 = arith.constant 0 : index
    %swap3A_707 = arith.constant 0 : index
    %swap3A_708 = vector.load %arg3[%swap3A_705, %swap3A_706, %swap3A_707] : memref<128x256x128xf32, #tpu.memory_space<vmem>>, vector<1x256x128xf32>
    %swap3A_709 = vector.shape_cast %swap3A_708 : vector<1x256x128xf32> to vector<256x128xf32>
    %swap3A_710 = vector.shape_cast %slice3A_704 : vector<256x128xf32> to vector<1x256x128xf32>
    tpu.vector_store %arg3[%swap3A_705, %swap3A_706, %swap3A_707], %swap3A_710 {strides = array<i32>} : memref<128x256x128xf32, #tpu.memory_space<vmem>>, vector<1x256x128xf32>,
    %slice3A_711 = vector.extract_strided_slice %dot_general3A_5 {offsets = [0, 12928], sizes = [256, 128], strides = [1, 1]} : vector<256x16384xf32> to vector<256x128xf32>
    %swap3A_712 = arith.constant 101 : index
    %swap3A_713 = arith.constant 0 : index
    %swap3A_714 = arith.constant 0 : index
    %swap3A_715 = vector.load %arg3[%swap3A_712, %swap3A_713, %swap3A_714] : memref<128x256x128xf32, #tpu.memory_space<vmem>>, vector<1x256x128xf32>
    %swap3A_716 = vector.shape_cast %swap3A_715 : vector<1x256x128xf32> to vector<256x128xf32>
    %swap3A_717 = vector.shape_cast %slice3A_711 : vector<256x128xf32> to vector<1x256x128xf32>
    tpu.vector_store %arg3[%swap3A_712, %swap3A_713, %swap3A_714], %swap3A_717 {strides = array<i32>} : memref<128x256x128xf32, #tpu.memory_space<vmem>>, vector<1x256x128xf32>,
    %slice3A_718 = vector.extract_strided_slice %dot_general3A_5 {offsets = [0, 13056], sizes = [256, 128], strides = [1, 1]} : vector<256x16384xf32> to vector<256x128xf32>
    %swap3A_719 = arith.constant 102 : index
    %swap3A_720 = arith.constant 0 : index
    %swap3A_721 = arith.constant 0 : index
    %swap3A_722 = vector.load %arg3[%swap3A_719, %swap3A_720, %swap3A_721] : memref<128x256x128xf32, #tpu.memory_space<vmem>>, vector<1x256x128xf32>
    %swap3A_723 = vector.shape_cast %swap3A_722 : vector<1x256x128xf32> to vector<256x128xf32>
    %swap3A_724 = vector.shape_cast %slice3A_718 : vector<256x128xf32> to vector<1x256x128xf32>
    tpu.vector_store %arg3[%swap3A_719, %swap3A_720, %swap3A_721], %swap3A_724 {strides = array<i32>} : memref<128x256x128xf32, #tpu.memory_space<vmem>>, vector<1x256x128xf32>,
    %slice3A_725 = vector.extract_strided_slice %dot_general3A_5 {offsets = [0, 13184], sizes = [256, 128], strides = [1, 1]} : vector<256x16384xf32> to vector<256x128xf32>
    %swap3A_726 = arith.constant 103 : index
    %swap3A_727 = arith.constant 0 : index
    %swap3A_728 = arith.constant 0 : index
    %swap3A_729 = vector.load %arg3[%swap3A_726, %swap3A_727, %swap3A_728] : memref<128x256x128xf32, #tpu.memory_space<vmem>>, vector<1x256x128xf32>
    %swap3A_730 = vector.shape_cast %swap3A_729 : vector<1x256x128xf32> to vector<256x128xf32>
    %swap3A_731 = vector.shape_cast %slice3A_725 : vector<256x128xf32> to vector<1x256x128xf32>
    tpu.vector_store %arg3[%swap3A_726, %swap3A_727, %swap3A_728], %swap3A_731 {strides = array<i32>} : memref<128x256x128xf32, #tpu.memory_space<vmem>>, vector<1x256x128xf32>,
    %slice3A_732 = vector.extract_strided_slice %dot_general3A_5 {offsets = [0, 13312], sizes = [256, 128], strides = [1, 1]} : vector<256x16384xf32> to vector<256x128xf32>
    %swap3A_733 = arith.constant 104 : index
    %swap3A_734 = arith.constant 0 : index
    %swap3A_735 = arith.constant 0 : index
    %swap3A_736 = vector.load %arg3[%swap3A_733, %swap3A_734, %swap3A_735] : memref<128x256x128xf32, #tpu.memory_space<vmem>>, vector<1x256x128xf32>
    %swap3A_737 = vector.shape_cast %swap3A_736 : vector<1x256x128xf32> to vector<256x128xf32>
    %swap3A_738 = vector.shape_cast %slice3A_732 : vector<256x128xf32> to vector<1x256x128xf32>
    tpu.vector_store %arg3[%swap3A_733, %swap3A_734, %swap3A_735], %swap3A_738 {strides = array<i32>} : memref<128x256x128xf32, #tpu.memory_space<vmem>>, vector<1x256x128xf32>,
    %slice3A_739 = vector.extract_strided_slice %dot_general3A_5 {offsets = [0, 13440], sizes = [256, 128], strides = [1, 1]} : vector<256x16384xf32> to vector<256x128xf32>
    %swap3A_740 = arith.constant 105 : index
    %swap3A_741 = arith.constant 0 : index
    %swap3A_742 = arith.constant 0 : index
    %swap3A_743 = vector.load %arg3[%swap3A_740, %swap3A_741, %swap3A_742] : memref<128x256x128xf32, #tpu.memory_space<vmem>>, vector<1x256x128xf32>
    %swap3A_744 = vector.shape_cast %swap3A_743 : vector<1x256x128xf32> to vector<256x128xf32>
    %swap3A_745 = vector.shape_cast %slice3A_739 : vector<256x128xf32> to vector<1x256x128xf32>
    tpu.vector_store %arg3[%swap3A_740, %swap3A_741, %swap3A_742], %swap3A_745 {strides = array<i32>} : memref<128x256x128xf32, #tpu.memory_space<vmem>>, vector<1x256x128xf32>,
    %slice3A_746 = vector.extract_strided_slice %dot_general3A_5 {offsets = [0, 13568], sizes = [256, 128], strides = [1, 1]} : vector<256x16384xf32> to vector<256x128xf32>
    %swap3A_747 = arith.constant 106 : index
    %swap3A_748 = arith.constant 0 : index
    %swap3A_749 = arith.constant 0 : index
    %swap3A_750 = vector.load %arg3[%swap3A_747, %swap3A_748, %swap3A_749] : memref<128x256x128xf32, #tpu.memory_space<vmem>>, vector<1x256x128xf32>
    %swap3A_751 = vector.shape_cast %swap3A_750 : vector<1x256x128xf32> to vector<256x128xf32>
    %swap3A_752 = vector.shape_cast %slice3A_746 : vector<256x128xf32> to vector<1x256x128xf32>
    tpu.vector_store %arg3[%swap3A_747, %swap3A_748, %swap3A_749], %swap3A_752 {strides = array<i32>} : memref<128x256x128xf32, #tpu.memory_space<vmem>>, vector<1x256x128xf32>,
    %slice3A_753 = vector.extract_strided_slice %dot_general3A_5 {offsets = [0, 13696], sizes = [256, 128], strides = [1, 1]} : vector<256x16384xf32> to vector<256x128xf32>
    %swap3A_754 = arith.constant 107 : index
    %swap3A_755 = arith.constant 0 : index
    %swap3A_756 = arith.constant 0 : index
    %swap3A_757 = vector.load %arg3[%swap3A_754, %swap3A_755, %swap3A_756] : memref<128x256x128xf32, #tpu.memory_space<vmem>>, vector<1x256x128xf32>
    %swap3A_758 = vector.shape_cast %swap3A_757 : vector<1x256x128xf32> to vector<256x128xf32>
    %swap3A_759 = vector.shape_cast %slice3A_753 : vector<256x128xf32> to vector<1x256x128xf32>
    tpu.vector_store %arg3[%swap3A_754, %swap3A_755, %swap3A_756], %swap3A_759 {strides = array<i32>} : memref<128x256x128xf32, #tpu.memory_space<vmem>>, vector<1x256x128xf32>,
    %slice3A_760 = vector.extract_strided_slice %dot_general3A_5 {offsets = [0, 13824], sizes = [256, 128], strides = [1, 1]} : vector<256x16384xf32> to vector<256x128xf32>
    %swap3A_761 = arith.constant 108 : index
    %swap3A_762 = arith.constant 0 : index
    %swap3A_763 = arith.constant 0 : index
    %swap3A_764 = vector.load %arg3[%swap3A_761, %swap3A_762, %swap3A_763] : memref<128x256x128xf32, #tpu.memory_space<vmem>>, vector<1x256x128xf32>
    %swap3A_765 = vector.shape_cast %swap3A_764 : vector<1x256x128xf32> to vector<256x128xf32>
    %swap3A_766 = vector.shape_cast %slice3A_760 : vector<256x128xf32> to vector<1x256x128xf32>
    tpu.vector_store %arg3[%swap3A_761, %swap3A_762, %swap3A_763], %swap3A_766 {strides = array<i32>} : memref<128x256x128xf32, #tpu.memory_space<vmem>>, vector<1x256x128xf32>,
    %slice3A_767 = vector.extract_strided_slice %dot_general3A_5 {offsets = [0, 13952], sizes = [256, 128], strides = [1, 1]} : vector<256x16384xf32> to vector<256x128xf32>
    %swap3A_768 = arith.constant 109 : index
    %swap3A_769 = arith.constant 0 : index
    %swap3A_770 = arith.constant 0 : index
    %swap3A_771 = vector.load %arg3[%swap3A_768, %swap3A_769, %swap3A_770] : memref<128x256x128xf32, #tpu.memory_space<vmem>>, vector<1x256x128xf32>
    %swap3A_772 = vector.shape_cast %swap3A_771 : vector<1x256x128xf32> to vector<256x128xf32>
    %swap3A_773 = vector.shape_cast %slice3A_767 : vector<256x128xf32> to vector<1x256x128xf32>
    tpu.vector_store %arg3[%swap3A_768, %swap3A_769, %swap3A_770], %swap3A_773 {strides = array<i32>} : memref<128x256x128xf32, #tpu.memory_space<vmem>>, vector<1x256x128xf32>,
    %slice3A_774 = vector.extract_strided_slice %dot_general3A_5 {offsets = [0, 14080], sizes = [256, 128], strides = [1, 1]} : vector<256x16384xf32> to vector<256x128xf32>
    %swap3A_775 = arith.constant 110 : index
    %swap3A_776 = arith.constant 0 : index
    %swap3A_777 = arith.constant 0 : index
    %swap3A_778 = vector.load %arg3[%swap3A_775, %swap3A_776, %swap3A_777] : memref<128x256x128xf32, #tpu.memory_space<vmem>>, vector<1x256x128xf32>
    %swap3A_779 = vector.shape_cast %swap3A_778 : vector<1x256x128xf32> to vector<256x128xf32>
    %swap3A_780 = vector.shape_cast %slice3A_774 : vector<256x128xf32> to vector<1x256x128xf32>
    tpu.vector_store %arg3[%swap3A_775, %swap3A_776, %swap3A_777], %swap3A_780 {strides = array<i32>} : memref<128x256x128xf32, #tpu.memory_space<vmem>>, vector<1x256x128xf32>,
    %slice3A_781 = vector.extract_strided_slice %dot_general3A_5 {offsets = [0, 14208], sizes = [256, 128], strides = [1, 1]} : vector<256x16384xf32> to vector<256x128xf32>
    %swap3A_782 = arith.constant 111 : index
    %swap3A_783 = arith.constant 0 : index
    %swap3A_784 = arith.constant 0 : index
    %swap3A_785 = vector.load %arg3[%swap3A_782, %swap3A_783, %swap3A_784] : memref<128x256x128xf32, #tpu.memory_space<vmem>>, vector<1x256x128xf32>
    %swap3A_786 = vector.shape_cast %swap3A_785 : vector<1x256x128xf32> to vector<256x128xf32>
    %swap3A_787 = vector.shape_cast %slice3A_781 : vector<256x128xf32> to vector<1x256x128xf32>
    tpu.vector_store %arg3[%swap3A_782, %swap3A_783, %swap3A_784], %swap3A_787 {strides = array<i32>} : memref<128x256x128xf32, #tpu.memory_space<vmem>>, vector<1x256x128xf32>,
    %slice3A_788 = vector.extract_strided_slice %dot_general3A_5 {offsets = [0, 14336], sizes = [256, 128], strides = [1, 1]} : vector<256x16384xf32> to vector<256x128xf32>
    %swap3A_789 = arith.constant 112 : index
    %swap3A_790 = arith.constant 0 : index
    %swap3A_791 = arith.constant 0 : index
    %swap3A_792 = vector.load %arg3[%swap3A_789, %swap3A_790, %swap3A_791] : memref<128x256x128xf32, #tpu.memory_space<vmem>>, vector<1x256x128xf32>
    %swap3A_793 = vector.shape_cast %swap3A_792 : vector<1x256x128xf32> to vector<256x128xf32>
    %swap3A_794 = vector.shape_cast %slice3A_788 : vector<256x128xf32> to vector<1x256x128xf32>
    tpu.vector_store %arg3[%swap3A_789, %swap3A_790, %swap3A_791], %swap3A_794 {strides = array<i32>} : memref<128x256x128xf32, #tpu.memory_space<vmem>>, vector<1x256x128xf32>,
    %slice3A_795 = vector.extract_strided_slice %dot_general3A_5 {offsets = [0, 14464], sizes = [256, 128], strides = [1, 1]} : vector<256x16384xf32> to vector<256x128xf32>
    %swap3A_796 = arith.constant 113 : index
    %swap3A_797 = arith.constant 0 : index
    %swap3A_798 = arith.constant 0 : index
    %swap3A_799 = vector.load %arg3[%swap3A_796, %swap3A_797, %swap3A_798] : memref<128x256x128xf32, #tpu.memory_space<vmem>>, vector<1x256x128xf32>
    %swap3A_800 = vector.shape_cast %swap3A_799 : vector<1x256x128xf32> to vector<256x128xf32>
    %swap3A_801 = vector.shape_cast %slice3A_795 : vector<256x128xf32> to vector<1x256x128xf32>
    tpu.vector_store %arg3[%swap3A_796, %swap3A_797, %swap3A_798], %swap3A_801 {strides = array<i32>} : memref<128x256x128xf32, #tpu.memory_space<vmem>>, vector<1x256x128xf32>,
    %slice3A_802 = vector.extract_strided_slice %dot_general3A_5 {offsets = [0, 14592], sizes = [256, 128], strides = [1, 1]} : vector<256x16384xf32> to vector<256x128xf32>
    %swap3A_803 = arith.constant 114 : index
    %swap3A_804 = arith.constant 0 : index
    %swap3A_805 = arith.constant 0 : index
    %swap3A_806 = vector.load %arg3[%swap3A_803, %swap3A_804, %swap3A_805] : memref<128x256x128xf32, #tpu.memory_space<vmem>>, vector<1x256x128xf32>
    %swap3A_807 = vector.shape_cast %swap3A_806 : vector<1x256x128xf32> to vector<256x128xf32>
    %swap3A_808 = vector.shape_cast %slice3A_802 : vector<256x128xf32> to vector<1x256x128xf32>
    tpu.vector_store %arg3[%swap3A_803, %swap3A_804, %swap3A_805], %swap3A_808 {strides = array<i32>} : memref<128x256x128xf32, #tpu.memory_space<vmem>>, vector<1x256x128xf32>,
    %slice3A_809 = vector.extract_strided_slice %dot_general3A_5 {offsets = [0, 14720], sizes = [256, 128], strides = [1, 1]} : vector<256x16384xf32> to vector<256x128xf32>
    %swap3A_810 = arith.constant 115 : index
    %swap3A_811 = arith.constant 0 : index
    %swap3A_812 = arith.constant 0 : index
    %swap3A_813 = vector.load %arg3[%swap3A_810, %swap3A_811, %swap3A_812] : memref<128x256x128xf32, #tpu.memory_space<vmem>>, vector<1x256x128xf32>
    %swap3A_814 = vector.shape_cast %swap3A_813 : vector<1x256x128xf32> to vector<256x128xf32>
    %swap3A_815 = vector.shape_cast %slice3A_809 : vector<256x128xf32> to vector<1x256x128xf32>
    tpu.vector_store %arg3[%swap3A_810, %swap3A_811, %swap3A_812], %swap3A_815 {strides = array<i32>} : memref<128x256x128xf32, #tpu.memory_space<vmem>>, vector<1x256x128xf32>,
    %slice3A_816 = vector.extract_strided_slice %dot_general3A_5 {offsets = [0, 14848], sizes = [256, 128], strides = [1, 1]} : vector<256x16384xf32> to vector<256x128xf32>
    %swap3A_817 = arith.constant 116 : index
    %swap3A_818 = arith.constant 0 : index
    %swap3A_819 = arith.constant 0 : index
    %swap3A_820 = vector.load %arg3[%swap3A_817, %swap3A_818, %swap3A_819] : memref<128x256x128xf32, #tpu.memory_space<vmem>>, vector<1x256x128xf32>
    %swap3A_821 = vector.shape_cast %swap3A_820 : vector<1x256x128xf32> to vector<256x128xf32>
    %swap3A_822 = vector.shape_cast %slice3A_816 : vector<256x128xf32> to vector<1x256x128xf32>
    tpu.vector_store %arg3[%swap3A_817, %swap3A_818, %swap3A_819], %swap3A_822 {strides = array<i32>} : memref<128x256x128xf32, #tpu.memory_space<vmem>>, vector<1x256x128xf32>,
    %slice3A_823 = vector.extract_strided_slice %dot_general3A_5 {offsets = [0, 14976], sizes = [256, 128], strides = [1, 1]} : vector<256x16384xf32> to vector<256x128xf32>
    %swap3A_824 = arith.constant 117 : index
    %swap3A_825 = arith.constant 0 : index
    %swap3A_826 = arith.constant 0 : index
    %swap3A_827 = vector.load %arg3[%swap3A_824, %swap3A_825, %swap3A_826] : memref<128x256x128xf32, #tpu.memory_space<vmem>>, vector<1x256x128xf32>
    %swap3A_828 = vector.shape_cast %swap3A_827 : vector<1x256x128xf32> to vector<256x128xf32>
    %swap3A_829 = vector.shape_cast %slice3A_823 : vector<256x128xf32> to vector<1x256x128xf32>
    tpu.vector_store %arg3[%swap3A_824, %swap3A_825, %swap3A_826], %swap3A_829 {strides = array<i32>} : memref<128x256x128xf32, #tpu.memory_space<vmem>>, vector<1x256x128xf32>,
    %slice3A_830 = vector.extract_strided_slice %dot_general3A_5 {offsets = [0, 15104], sizes = [256, 128], strides = [1, 1]} : vector<256x16384xf32> to vector<256x128xf32>
    %swap3A_831 = arith.constant 118 : index
    %swap3A_832 = arith.constant 0 : index
    %swap3A_833 = arith.constant 0 : index
    %swap3A_834 = vector.load %arg3[%swap3A_831, %swap3A_832, %swap3A_833] : memref<128x256x128xf32, #tpu.memory_space<vmem>>, vector<1x256x128xf32>
    %swap3A_835 = vector.shape_cast %swap3A_834 : vector<1x256x128xf32> to vector<256x128xf32>
    %swap3A_836 = vector.shape_cast %slice3A_830 : vector<256x128xf32> to vector<1x256x128xf32>
    tpu.vector_store %arg3[%swap3A_831, %swap3A_832, %swap3A_833], %swap3A_836 {strides = array<i32>} : memref<128x256x128xf32, #tpu.memory_space<vmem>>, vector<1x256x128xf32>,
    %slice3A_837 = vector.extract_strided_slice %dot_general3A_5 {offsets = [0, 15232], sizes = [256, 128], strides = [1, 1]} : vector<256x16384xf32> to vector<256x128xf32>
    %swap3A_838 = arith.constant 119 : index
    %swap3A_839 = arith.constant 0 : index
    %swap3A_840 = arith.constant 0 : index
    %swap3A_841 = vector.load %arg3[%swap3A_838, %swap3A_839, %swap3A_840] : memref<128x256x128xf32, #tpu.memory_space<vmem>>, vector<1x256x128xf32>
    %swap3A_842 = vector.shape_cast %swap3A_841 : vector<1x256x128xf32> to vector<256x128xf32>
    %swap3A_843 = vector.shape_cast %slice3A_837 : vector<256x128xf32> to vector<1x256x128xf32>
    tpu.vector_store %arg3[%swap3A_838, %swap3A_839, %swap3A_840], %swap3A_843 {strides = array<i32>} : memref<128x256x128xf32, #tpu.memory_space<vmem>>, vector<1x256x128xf32>,
    %slice3A_844 = vector.extract_strided_slice %dot_general3A_5 {offsets = [0, 15360], sizes = [256, 128], strides = [1, 1]} : vector<256x16384xf32> to vector<256x128xf32>
    %swap3A_845 = arith.constant 120 : index
    %swap3A_846 = arith.constant 0 : index
    %swap3A_847 = arith.constant 0 : index
    %swap3A_848 = vector.load %arg3[%swap3A_845, %swap3A_846, %swap3A_847] : memref<128x256x128xf32, #tpu.memory_space<vmem>>, vector<1x256x128xf32>
    %swap3A_849 = vector.shape_cast %swap3A_848 : vector<1x256x128xf32> to vector<256x128xf32>
    %swap3A_850 = vector.shape_cast %slice3A_844 : vector<256x128xf32> to vector<1x256x128xf32>
    tpu.vector_store %arg3[%swap3A_845, %swap3A_846, %swap3A_847], %swap3A_850 {strides = array<i32>} : memref<128x256x128xf32, #tpu.memory_space<vmem>>, vector<1x256x128xf32>,
    %slice3A_851 = vector.extract_strided_slice %dot_general3A_5 {offsets = [0, 15488], sizes = [256, 128], strides = [1, 1]} : vector<256x16384xf32> to vector<256x128xf32>
    %swap3A_852 = arith.constant 121 : index
    %swap3A_853 = arith.constant 0 : index
    %swap3A_854 = arith.constant 0 : index
    %swap3A_855 = vector.load %arg3[%swap3A_852, %swap3A_853, %swap3A_854] : memref<128x256x128xf32, #tpu.memory_space<vmem>>, vector<1x256x128xf32>
    %swap3A_856 = vector.shape_cast %swap3A_855 : vector<1x256x128xf32> to vector<256x128xf32>
    %swap3A_857 = vector.shape_cast %slice3A_851 : vector<256x128xf32> to vector<1x256x128xf32>
    tpu.vector_store %arg3[%swap3A_852, %swap3A_853, %swap3A_854], %swap3A_857 {strides = array<i32>} : memref<128x256x128xf32, #tpu.memory_space<vmem>>, vector<1x256x128xf32>,
    %slice3A_858 = vector.extract_strided_slice %dot_general3A_5 {offsets = [0, 15616], sizes = [256, 128], strides = [1, 1]} : vector<256x16384xf32> to vector<256x128xf32>
    %swap3A_859 = arith.constant 122 : index
    %swap3A_860 = arith.constant 0 : index
    %swap3A_861 = arith.constant 0 : index
    %swap3A_862 = vector.load %arg3[%swap3A_859, %swap3A_860, %swap3A_861] : memref<128x256x128xf32, #tpu.memory_space<vmem>>, vector<1x256x128xf32>
    %swap3A_863 = vector.shape_cast %swap3A_862 : vector<1x256x128xf32> to vector<256x128xf32>
    %swap3A_864 = vector.shape_cast %slice3A_858 : vector<256x128xf32> to vector<1x256x128xf32>
    tpu.vector_store %arg3[%swap3A_859, %swap3A_860, %swap3A_861], %swap3A_864 {strides = array<i32>} : memref<128x256x128xf32, #tpu.memory_space<vmem>>, vector<1x256x128xf32>,
    %slice3A_865 = vector.extract_strided_slice %dot_general3A_5 {offsets = [0, 15744], sizes = [256, 128], strides = [1, 1]} : vector<256x16384xf32> to vector<256x128xf32>
    %swap3A_866 = arith.constant 123 : index
    %swap3A_867 = arith.constant 0 : index
    %swap3A_868 = arith.constant 0 : index
    %swap3A_869 = vector.load %arg3[%swap3A_866, %swap3A_867, %swap3A_868] : memref<128x256x128xf32, #tpu.memory_space<vmem>>, vector<1x256x128xf32>
    %swap3A_870 = vector.shape_cast %swap3A_869 : vector<1x256x128xf32> to vector<256x128xf32>
    %swap3A_871 = vector.shape_cast %slice3A_865 : vector<256x128xf32> to vector<1x256x128xf32>
    tpu.vector_store %arg3[%swap3A_866, %swap3A_867, %swap3A_868], %swap3A_871 {strides = array<i32>} : memref<128x256x128xf32, #tpu.memory_space<vmem>>, vector<1x256x128xf32>,
    %slice3A_872 = vector.extract_strided_slice %dot_general3A_5 {offsets = [0, 15872], sizes = [256, 128], strides = [1, 1]} : vector<256x16384xf32> to vector<256x128xf32>
    %swap3A_873 = arith.constant 124 : index
    %swap3A_874 = arith.constant 0 : index
    %swap3A_875 = arith.constant 0 : index
    %swap3A_876 = vector.load %arg3[%swap3A_873, %swap3A_874, %swap3A_875] : memref<128x256x128xf32, #tpu.memory_space<vmem>>, vector<1x256x128xf32>
    %swap3A_877 = vector.shape_cast %swap3A_876 : vector<1x256x128xf32> to vector<256x128xf32>
    %swap3A_878 = vector.shape_cast %slice3A_872 : vector<256x128xf32> to vector<1x256x128xf32>
    tpu.vector_store %arg3[%swap3A_873, %swap3A_874, %swap3A_875], %swap3A_878 {strides = array<i32>} : memref<128x256x128xf32, #tpu.memory_space<vmem>>, vector<1x256x128xf32>,
    %slice3A_879 = vector.extract_strided_slice %dot_general3A_5 {offsets = [0, 16000], sizes = [256, 128], strides = [1, 1]} : vector<256x16384xf32> to vector<256x128xf32>
    %swap3A_880 = arith.constant 125 : index
    %swap3A_881 = arith.constant 0 : index
    %swap3A_882 = arith.constant 0 : index
    %swap3A_883 = vector.load %arg3[%swap3A_880, %swap3A_881, %swap3A_882] : memref<128x256x128xf32, #tpu.memory_space<vmem>>, vector<1x256x128xf32>
    %swap3A_884 = vector.shape_cast %swap3A_883 : vector<1x256x128xf32> to vector<256x128xf32>
    %swap3A_885 = vector.shape_cast %slice3A_879 : vector<256x128xf32> to vector<1x256x128xf32>
    tpu.vector_store %arg3[%swap3A_880, %swap3A_881, %swap3A_882], %swap3A_885 {strides = array<i32>} : memref<128x256x128xf32, #tpu.memory_space<vmem>>, vector<1x256x128xf32>,
    %slice3A_886 = vector.extract_strided_slice %dot_general3A_5 {offsets = [0, 16128], sizes = [256, 128], strides = [1, 1]} : vector<256x16384xf32> to vector<256x128xf32>
    %swap3A_887 = arith.constant 126 : index
    %swap3A_888 = arith.constant 0 : index
    %swap3A_889 = arith.constant 0 : index
    %swap3A_890 = vector.load %arg3[%swap3A_887, %swap3A_888, %swap3A_889] : memref<128x256x128xf32, #tpu.memory_space<vmem>>, vector<1x256x128xf32>
    %swap3A_891 = vector.shape_cast %swap3A_890 : vector<1x256x128xf32> to vector<256x128xf32>
    %swap3A_892 = vector.shape_cast %slice3A_886 : vector<256x128xf32> to vector<1x256x128xf32>
    tpu.vector_store %arg3[%swap3A_887, %swap3A_888, %swap3A_889], %swap3A_892 {strides = array<i32>} : memref<128x256x128xf32, #tpu.memory_space<vmem>>, vector<1x256x128xf32>,
    %slice3A_893 = vector.extract_strided_slice %dot_general3A_5 {offsets = [0, 16256], sizes = [256, 128], strides = [1, 1]} : vector<256x16384xf32> to vector<256x128xf32>
    %swap3A_894 = arith.constant 127 : index
    %swap3A_895 = arith.constant 0 : index
    %swap3A_896 = arith.constant 0 : index
    %swap3A_897 = vector.load %arg3[%swap3A_894, %swap3A_895, %swap3A_896] : memref<128x256x128xf32, #tpu.memory_space<vmem>>, vector<1x256x128xf32>
    %swap3A_898 = vector.shape_cast %swap3A_897 : vector<1x256x128xf32> to vector<256x128xf32>
    %swap3A_899 = vector.shape_cast %slice3A_893 : vector<256x128xf32> to vector<1x256x128xf32>
    tpu.vector_store %arg3[%swap3A_894, %swap3A_895, %swap3A_896], %swap3A_899 {strides = array<i32>} : memref<128x256x128xf32, #tpu.memory_space<vmem>>, vector<1x256x128xf32>,
    %reshape3A = vector.shape_cast %dot_general3A_5 : vector<256x16384xf32> to vector<256x128x128xf32>
    %reduce_max3A = arith.constant dense<0xFF800000> : vector<256x128xf32>
    %reduce_max3A_900 = vector.multi_reduction <maximumf>, %reshape3A, %reduce_max3A [2] : vector<256x128x128xf32> to vector<256x128xf32>
    %iota3A = tpu.iota {dimensions = array<i32: 1>} : vector<256x128xi32>
    %iota3A_901 = tpu.iota {dimensions = array<i32: 0>} : vector<256x1xi32>
    %mul3A = arith.constant 256 : i32
    %mul3A_902 = arith.muli %arg0, %mul3A : i32
    %add3A = vector.broadcast %mul3A_902 : i32 to vector<256x1xi32>
    %add3A_903 = arith.addi %iota3A_901, %add3A : vector<256x1xi32>
    %reduce_max3A_904 = arith.constant dense<0xFF800000> : vector<256xf32>
    %reduce_max3A_905 = vector.multi_reduction <maximumf>, %reduce_max3A_900, %reduce_max3A_904 [1] : vector<256x128xf32> to vector<256xf32>
    %broadcast_in_dim3A = vector.shape_cast %reduce_max3A_905 : vector<256xf32> to vector<256x1xf32>
    %ge3A = vector.broadcast %broadcast_in_dim3A : vector<256x1xf32> to vector<256x128xf32>
    %ge3A_906 = arith.cmpf oge, %reduce_max3A_900, %ge3A : vector<256x128xf32>
    %jit3A = arith.constant 128 : i32
    %broadcast_in_dim3A_907 = vector.broadcast %jit3A : i32 to vector<256x128xi32>
    %select_n3A = arith.select %ge3A_906, %iota3A, %broadcast_in_dim3A_907 : vector<256x128xi1>, vector<256x128xi32>
    %reduce_min3A = arith.constant dense<2147483647> : vector<256xi32>
    %reduce_min3A_908 = vector.multi_reduction <minsi>, %select_n3A, %reduce_min3A [1] : vector<256x128xi32> to vector<256xi32>
    %broadcast_in_dim3A_909 = vector.shape_cast %reduce_min3A_908 : vector<256xi32> to vector<256x1xi32>
    %mul3A_910 = arith.constant 16384 : i32
    %mul3A_911 = vector.broadcast %mul3A_910 : i32 to vector<256x1xi32>
    %mul3A_912 = arith.muli %broadcast_in_dim3A_909, %mul3A_911 : vector<256x1xi32>
    %add3A_913 = arith.addi %mul3A_912, %add3A_903 : vector<256x1xi32>
    %eq3A = vector.broadcast %broadcast_in_dim3A_909 : vector<256x1xi32> to vector<256x128xi32>
    %eq3A_914 = arith.cmpi eq, %iota3A, %eq3A : vector<256x128xi32>
    %jit3A_915 = arith.constant 0xFF800000 : f32
    %broadcast_in_dim3A_916 = vector.broadcast %jit3A_915 : f32 to vector<256x128xf32>
    %select_n3A_917 = arith.select %eq3A_914, %broadcast_in_dim3A_916, %reduce_max3A_900 : vector<256x128xi1>, vector<256x128xf32>
    %reduce_max3A_918 = arith.constant dense<0xFF800000> : vector<256xf32>
    %reduce_max3A_919 = vector.multi_reduction <maximumf>, %select_n3A_917, %reduce_max3A_918 [1] : vector<256x128xf32> to vector<256xf32>
    %broadcast_in_dim3A_920 = vector.shape_cast %reduce_max3A_919 : vector<256xf32> to vector<256x1xf32>
    %ge3A_921 = vector.broadcast %broadcast_in_dim3A_920 : vector<256x1xf32> to vector<256x128xf32>
    %ge3A_922 = arith.cmpf oge, %select_n3A_917, %ge3A_921 : vector<256x128xf32>
    %jit3A_923 = arith.constant 128 : i32
    %broadcast_in_dim3A_924 = vector.broadcast %jit3A_923 : i32 to vector<256x128xi32>
    %select_n3A_925 = arith.select %ge3A_922, %iota3A, %broadcast_in_dim3A_924 : vector<256x128xi1>, vector<256x128xi32>
    %reduce_min3A_926 = arith.constant dense<2147483647> : vector<256xi32>
    %reduce_min3A_927 = vector.multi_reduction <minsi>, %select_n3A_925, %reduce_min3A_926 [1] : vector<256x128xi32> to vector<256xi32>
    %broadcast_in_dim3A_928 = vector.shape_cast %reduce_min3A_927 : vector<256xi32> to vector<256x1xi32>
    %mul3A_929 = arith.constant 16384 : i32
    %mul3A_930 = vector.broadcast %mul3A_929 : i32 to vector<256x1xi32>
    %mul3A_931 = arith.muli %broadcast_in_dim3A_928, %mul3A_930 : vector<256x1xi32>
    %add3A_932 = arith.addi %mul3A_931, %add3A_903 : vector<256x1xi32>
    %eq3A_933 = vector.broadcast %broadcast_in_dim3A_928 : vector<256x1xi32> to vector<256x128xi32>
    %eq3A_934 = arith.cmpi eq, %iota3A, %eq3A_933 : vector<256x128xi32>
    %jit3A_935 = arith.constant 0xFF800000 : f32
    %broadcast_in_dim3A_936 = vector.broadcast %jit3A_935 : f32 to vector<256x128xf32>
    %select_n3A_937 = arith.select %eq3A_934, %broadcast_in_dim3A_936, %select_n3A_917 : vector<256x128xi1>, vector<256x128xf32>
    %reduce_max3A_938 = arith.constant dense<0xFF800000> : vector<256xf32>
    %reduce_max3A_939 = vector.multi_reduction <maximumf>, %select_n3A_937, %reduce_max3A_938 [1] : vector<256x128xf32> to vector<256xf32>
    %broadcast_in_dim3A_940 = vector.shape_cast %reduce_max3A_939 : vector<256xf32> to vector<256x1xf32>
    %ge3A_941 = vector.broadcast %broadcast_in_dim3A_940 : vector<256x1xf32> to vector<256x128xf32>
    %ge3A_942 = arith.cmpf oge, %select_n3A_937, %ge3A_941 : vector<256x128xf32>
    %jit3A_943 = arith.constant 128 : i32
    %broadcast_in_dim3A_944 = vector.broadcast %jit3A_943 : i32 to vector<256x128xi32>
    %select_n3A_945 = arith.select %ge3A_942, %iota3A, %broadcast_in_dim3A_944 : vector<256x128xi1>, vector<256x128xi32>
    %reduce_min3A_946 = arith.constant dense<2147483647> : vector<256xi32>
    %reduce_min3A_947 = vector.multi_reduction <minsi>, %select_n3A_945, %reduce_min3A_946 [1] : vector<256x128xi32> to vector<256xi32>
    %broadcast_in_dim3A_948 = vector.shape_cast %reduce_min3A_947 : vector<256xi32> to vector<256x1xi32>
    %mul3A_949 = arith.constant 16384 : i32
    %mul3A_950 = vector.broadcast %mul3A_949 : i32 to vector<256x1xi32>
    %mul3A_951 = arith.muli %broadcast_in_dim3A_948, %mul3A_950 : vector<256x1xi32>
    %add3A_952 = arith.addi %mul3A_951, %add3A_903 : vector<256x1xi32>
    %eq3A_953 = vector.broadcast %broadcast_in_dim3A_948 : vector<256x1xi32> to vector<256x128xi32>
    %eq3A_954 = arith.cmpi eq, %iota3A, %eq3A_953 : vector<256x128xi32>
    %jit3A_955 = arith.constant 0xFF800000 : f32
    %broadcast_in_dim3A_956 = vector.broadcast %jit3A_955 : f32 to vector<256x128xf32>
    %select_n3A_957 = arith.select %eq3A_954, %broadcast_in_dim3A_956, %select_n3A_937 : vector<256x128xi1>, vector<256x128xf32>
    %reduce_max3A_958 = arith.constant dense<0xFF800000> : vector<256xf32>
    %reduce_max3A_959 = vector.multi_reduction <maximumf>, %select_n3A_957, %reduce_max3A_958 [1] : vector<256x128xf32> to vector<256xf32>
    %broadcast_in_dim3A_960 = vector.shape_cast %reduce_max3A_959 : vector<256xf32> to vector<256x1xf32>
    %ge3A_961 = vector.broadcast %broadcast_in_dim3A_960 : vector<256x1xf32> to vector<256x128xf32>
    %ge3A_962 = arith.cmpf oge, %select_n3A_957, %ge3A_961 : vector<256x128xf32>
    %jit3A_963 = arith.constant 128 : i32
    %broadcast_in_dim3A_964 = vector.broadcast %jit3A_963 : i32 to vector<256x128xi32>
    %select_n3A_965 = arith.select %ge3A_962, %iota3A, %broadcast_in_dim3A_964 : vector<256x128xi1>, vector<256x128xi32>
    %reduce_min3A_966 = arith.constant dense<2147483647> : vector<256xi32>
    %reduce_min3A_967 = vector.multi_reduction <minsi>, %select_n3A_965, %reduce_min3A_966 [1] : vector<256x128xi32> to vector<256xi32>
    %broadcast_in_dim3A_968 = vector.shape_cast %reduce_min3A_967 : vector<256xi32> to vector<256x1xi32>
    %mul3A_969 = arith.constant 16384 : i32
    %mul3A_970 = vector.broadcast %mul3A_969 : i32 to vector<256x1xi32>
    %mul3A_971 = arith.muli %broadcast_in_dim3A_968, %mul3A_970 : vector<256x1xi32>
    %add3A_972 = arith.addi %mul3A_971, %add3A_903 : vector<256x1xi32>
    %eq3A_973 = vector.broadcast %broadcast_in_dim3A_968 : vector<256x1xi32> to vector<256x128xi32>
    %eq3A_974 = arith.cmpi eq, %iota3A, %eq3A_973 : vector<256x128xi32>
    %jit3A_975 = arith.constant 0xFF800000 : f32
    %broadcast_in_dim3A_976 = vector.broadcast %jit3A_975 : f32 to vector<256x128xf32>
    %select_n3A_977 = arith.select %eq3A_974, %broadcast_in_dim3A_976, %select_n3A_957 : vector<256x128xi1>, vector<256x128xf32>
    %reduce_max3A_978 = arith.constant dense<0xFF800000> : vector<256xf32>
    %reduce_max3A_979 = vector.multi_reduction <maximumf>, %select_n3A_977, %reduce_max3A_978 [1] : vector<256x128xf32> to vector<256xf32>
    %broadcast_in_dim3A_980 = vector.shape_cast %reduce_max3A_979 : vector<256xf32> to vector<256x1xf32>
    %ge3A_981 = vector.broadcast %broadcast_in_dim3A_980 : vector<256x1xf32> to vector<256x128xf32>
    %ge3A_982 = arith.cmpf oge, %select_n3A_977, %ge3A_981 : vector<256x128xf32>
    %jit3A_983 = arith.constant 128 : i32
    %broadcast_in_dim3A_984 = vector.broadcast %jit3A_983 : i32 to vector<256x128xi32>
    %select_n3A_985 = arith.select %ge3A_982, %iota3A, %broadcast_in_dim3A_984 : vector<256x128xi1>, vector<256x128xi32>
    %reduce_min3A_986 = arith.constant dense<2147483647> : vector<256xi32>
    %reduce_min3A_987 = vector.multi_reduction <minsi>, %select_n3A_985, %reduce_min3A_986 [1] : vector<256x128xi32> to vector<256xi32>
    %broadcast_in_dim3A_988 = vector.shape_cast %reduce_min3A_987 : vector<256xi32> to vector<256x1xi32>
    %mul3A_989 = arith.constant 16384 : i32
    %mul3A_990 = vector.broadcast %mul3A_989 : i32 to vector<256x1xi32>
    %mul3A_991 = arith.muli %broadcast_in_dim3A_988, %mul3A_990 : vector<256x1xi32>
    %add3A_992 = arith.addi %mul3A_991, %add3A_903 : vector<256x1xi32>
    %eq3A_993 = vector.broadcast %broadcast_in_dim3A_988 : vector<256x1xi32> to vector<256x128xi32>
    %eq3A_994 = arith.cmpi eq, %iota3A, %eq3A_993 : vector<256x128xi32>
    %jit3A_995 = arith.constant 0xFF800000 : f32
    %broadcast_in_dim3A_996 = vector.broadcast %jit3A_995 : f32 to vector<256x128xf32>
    %select_n3A_997 = arith.select %eq3A_994, %broadcast_in_dim3A_996, %select_n3A_977 : vector<256x128xi1>, vector<256x128xf32>
    %reduce_max3A_998 = arith.constant dense<0xFF800000> : vector<256xf32>
    %reduce_max3A_999 = vector.multi_reduction <maximumf>, %select_n3A_997, %reduce_max3A_998 [1] : vector<256x128xf32> to vector<256xf32>
    %broadcast_in_dim3A_1000 = vector.shape_cast %reduce_max3A_999 : vector<256xf32> to vector<256x1xf32>
    %ge3A_1001 = vector.broadcast %broadcast_in_dim3A_1000 : vector<256x1xf32> to vector<256x128xf32>
    %ge3A_1002 = arith.cmpf oge, %select_n3A_997, %ge3A_1001 : vector<256x128xf32>
    %jit3A_1003 = arith.constant 128 : i32
    %broadcast_in_dim3A_1004 = vector.broadcast %jit3A_1003 : i32 to vector<256x128xi32>
    %select_n3A_1005 = arith.select %ge3A_1002, %iota3A, %broadcast_in_dim3A_1004 : vector<256x128xi1>, vector<256x128xi32>
    %reduce_min3A_1006 = arith.constant dense<2147483647> : vector<256xi32>
    %reduce_min3A_1007 = vector.multi_reduction <minsi>, %select_n3A_1005, %reduce_min3A_1006 [1] : vector<256x128xi32> to vector<256xi32>
    %broadcast_in_dim3A_1008 = vector.shape_cast %reduce_min3A_1007 : vector<256xi32> to vector<256x1xi32>
    %mul3A_1009 = arith.constant 16384 : i32
    %mul3A_1010 = vector.broadcast %mul3A_1009 : i32 to vector<256x1xi32>
    %mul3A_1011 = arith.muli %broadcast_in_dim3A_1008, %mul3A_1010 : vector<256x1xi32>
    %add3A_1012 = arith.addi %mul3A_1011, %add3A_903 : vector<256x1xi32>
    %eq3A_1013 = vector.broadcast %broadcast_in_dim3A_1008 : vector<256x1xi32> to vector<256x128xi32>
    %eq3A_1014 = arith.cmpi eq, %iota3A, %eq3A_1013 : vector<256x128xi32>
    %jit3A_1015 = arith.constant 0xFF800000 : f32
    %broadcast_in_dim3A_1016 = vector.broadcast %jit3A_1015 : f32 to vector<256x128xf32>
    %select_n3A_1017 = arith.select %eq3A_1014, %broadcast_in_dim3A_1016, %select_n3A_997 : vector<256x128xi1>, vector<256x128xf32>
    %reduce_max3A_1018 = arith.constant dense<0xFF800000> : vector<256xf32>
    %reduce_max3A_1019 = vector.multi_reduction <maximumf>, %select_n3A_1017, %reduce_max3A_1018 [1] : vector<256x128xf32> to vector<256xf32>
    %broadcast_in_dim3A_1020 = vector.shape_cast %reduce_max3A_1019 : vector<256xf32> to vector<256x1xf32>
    %ge3A_1021 = vector.broadcast %broadcast_in_dim3A_1020 : vector<256x1xf32> to vector<256x128xf32>
    %ge3A_1022 = arith.cmpf oge, %select_n3A_1017, %ge3A_1021 : vector<256x128xf32>
    %jit3A_1023 = arith.constant 128 : i32
    %broadcast_in_dim3A_1024 = vector.broadcast %jit3A_1023 : i32 to vector<256x128xi32>
    %select_n3A_1025 = arith.select %ge3A_1022, %iota3A, %broadcast_in_dim3A_1024 : vector<256x128xi1>, vector<256x128xi32>
    %reduce_min3A_1026 = arith.constant dense<2147483647> : vector<256xi32>
    %reduce_min3A_1027 = vector.multi_reduction <minsi>, %select_n3A_1025, %reduce_min3A_1026 [1] : vector<256x128xi32> to vector<256xi32>
    %broadcast_in_dim3A_1028 = vector.shape_cast %reduce_min3A_1027 : vector<256xi32> to vector<256x1xi32>
    %mul3A_1029 = arith.constant 16384 : i32
    %mul3A_1030 = vector.broadcast %mul3A_1029 : i32 to vector<256x1xi32>
    %mul3A_1031 = arith.muli %broadcast_in_dim3A_1028, %mul3A_1030 : vector<256x1xi32>
    %add3A_1032 = arith.addi %mul3A_1031, %add3A_903 : vector<256x1xi32>
    %eq3A_1033 = vector.broadcast %broadcast_in_dim3A_1028 : vector<256x1xi32> to vector<256x128xi32>
    %eq3A_1034 = arith.cmpi eq, %iota3A, %eq3A_1033 : vector<256x128xi32>
    %jit3A_1035 = arith.constant 0xFF800000 : f32
    %broadcast_in_dim3A_1036 = vector.broadcast %jit3A_1035 : f32 to vector<256x128xf32>
    %select_n3A_1037 = arith.select %eq3A_1034, %broadcast_in_dim3A_1036, %select_n3A_1017 : vector<256x128xi1>, vector<256x128xf32>
    %reduce_max3A_1038 = arith.constant dense<0xFF800000> : vector<256xf32>
    %reduce_max3A_1039 = vector.multi_reduction <maximumf>, %select_n3A_1037, %reduce_max3A_1038 [1] : vector<256x128xf32> to vector<256xf32>
    %broadcast_in_dim3A_1040 = vector.shape_cast %reduce_max3A_1039 : vector<256xf32> to vector<256x1xf32>
    %ge3A_1041 = vector.broadcast %broadcast_in_dim3A_1040 : vector<256x1xf32> to vector<256x128xf32>
    %ge3A_1042 = arith.cmpf oge, %select_n3A_1037, %ge3A_1041 : vector<256x128xf32>
    %jit3A_1043 = arith.constant 128 : i32
    %broadcast_in_dim3A_1044 = vector.broadcast %jit3A_1043 : i32 to vector<256x128xi32>
    %select_n3A_1045 = arith.select %ge3A_1042, %iota3A, %broadcast_in_dim3A_1044 : vector<256x128xi1>, vector<256x128xi32>
    %reduce_min3A_1046 = arith.constant dense<2147483647> : vector<256xi32>
    %reduce_min3A_1047 = vector.multi_reduction <minsi>, %select_n3A_1045, %reduce_min3A_1046 [1] : vector<256x128xi32> to vector<256xi32>
    %broadcast_in_dim3A_1048 = vector.shape_cast %reduce_min3A_1047 : vector<256xi32> to vector<256x1xi32>
    %mul3A_1049 = arith.constant 16384 : i32
    %mul3A_1050 = vector.broadcast %mul3A_1049 : i32 to vector<256x1xi32>
    %mul3A_1051 = arith.muli %broadcast_in_dim3A_1048, %mul3A_1050 : vector<256x1xi32>
    %add3A_1052 = arith.addi %mul3A_1051, %add3A_903 : vector<256x1xi32>
    %eq3A_1053 = vector.broadcast %broadcast_in_dim3A_1048 : vector<256x1xi32> to vector<256x128xi32>
    %eq3A_1054 = arith.cmpi eq, %iota3A, %eq3A_1053 : vector<256x128xi32>
    %jit3A_1055 = arith.constant 0xFF800000 : f32
    %broadcast_in_dim3A_1056 = vector.broadcast %jit3A_1055 : f32 to vector<256x128xf32>
    %select_n3A_1057 = arith.select %eq3A_1054, %broadcast_in_dim3A_1056, %select_n3A_1037 : vector<256x128xi1>, vector<256x128xf32>
    %reduce_max3A_1058 = arith.constant dense<0xFF800000> : vector<256xf32>
    %reduce_max3A_1059 = vector.multi_reduction <maximumf>, %select_n3A_1057, %reduce_max3A_1058 [1] : vector<256x128xf32> to vector<256xf32>
    %broadcast_in_dim3A_1060 = vector.shape_cast %reduce_max3A_1059 : vector<256xf32> to vector<256x1xf32>
    %ge3A_1061 = vector.broadcast %broadcast_in_dim3A_1060 : vector<256x1xf32> to vector<256x128xf32>
    %ge3A_1062 = arith.cmpf oge, %select_n3A_1057, %ge3A_1061 : vector<256x128xf32>
    %jit3A_1063 = arith.constant 128 : i32
    %broadcast_in_dim3A_1064 = vector.broadcast %jit3A_1063 : i32 to vector<256x128xi32>
    %select_n3A_1065 = arith.select %ge3A_1062, %iota3A, %broadcast_in_dim3A_1064 : vector<256x128xi1>, vector<256x128xi32>
    %reduce_min3A_1066 = arith.constant dense<2147483647> : vector<256xi32>
    %reduce_min3A_1067 = vector.multi_reduction <minsi>, %select_n3A_1065, %reduce_min3A_1066 [1] : vector<256x128xi32> to vector<256xi32>
    %broadcast_in_dim3A_1068 = vector.shape_cast %reduce_min3A_1067 : vector<256xi32> to vector<256x1xi32>
    %mul3A_1069 = arith.constant 16384 : i32
    %mul3A_1070 = vector.broadcast %mul3A_1069 : i32 to vector<256x1xi32>
    %mul3A_1071 = arith.muli %broadcast_in_dim3A_1068, %mul3A_1070 : vector<256x1xi32>
    %add3A_1072 = arith.addi %mul3A_1071, %add3A_903 : vector<256x1xi32>
    %eq3A_1073 = vector.broadcast %broadcast_in_dim3A_1068 : vector<256x1xi32> to vector<256x128xi32>
    %eq3A_1074 = arith.cmpi eq, %iota3A, %eq3A_1073 : vector<256x128xi32>
    %jit3A_1075 = arith.constant 0xFF800000 : f32
    %broadcast_in_dim3A_1076 = vector.broadcast %jit3A_1075 : f32 to vector<256x128xf32>
    %select_n3A_1077 = arith.select %eq3A_1074, %broadcast_in_dim3A_1076, %select_n3A_1057 : vector<256x128xi1>, vector<256x128xf32>
    %reduce_max3A_1078 = arith.constant dense<0xFF800000> : vector<256xf32>
    %reduce_max3A_1079 = vector.multi_reduction <maximumf>, %select_n3A_1077, %reduce_max3A_1078 [1] : vector<256x128xf32> to vector<256xf32>
    %broadcast_in_dim3A_1080 = vector.shape_cast %reduce_max3A_1079 : vector<256xf32> to vector<256x1xf32>
    %ge3A_1081 = vector.broadcast %broadcast_in_dim3A_1080 : vector<256x1xf32> to vector<256x128xf32>
    %ge3A_1082 = arith.cmpf oge, %select_n3A_1077, %ge3A_1081 : vector<256x128xf32>
    %jit3A_1083 = arith.constant 128 : i32
    %broadcast_in_dim3A_1084 = vector.broadcast %jit3A_1083 : i32 to vector<256x128xi32>
    %select_n3A_1085 = arith.select %ge3A_1082, %iota3A, %broadcast_in_dim3A_1084 : vector<256x128xi1>, vector<256x128xi32>
    %reduce_min3A_1086 = arith.constant dense<2147483647> : vector<256xi32>
    %reduce_min3A_1087 = vector.multi_reduction <minsi>, %select_n3A_1085, %reduce_min3A_1086 [1] : vector<256x128xi32> to vector<256xi32>
    %broadcast_in_dim3A_1088 = vector.shape_cast %reduce_min3A_1087 : vector<256xi32> to vector<256x1xi32>
    %mul3A_1089 = arith.constant 16384 : i32
    %mul3A_1090 = vector.broadcast %mul3A_1089 : i32 to vector<256x1xi32>
    %mul3A_1091 = arith.muli %broadcast_in_dim3A_1088, %mul3A_1090 : vector<256x1xi32>
    %add3A_1092 = arith.addi %mul3A_1091, %add3A_903 : vector<256x1xi32>
    %concatenate3A = tpu.concatenate %broadcast_in_dim3A_909, %broadcast_in_dim3A_928, %broadcast_in_dim3A_948, %broadcast_in_dim3A_968, %broadcast_in_dim3A_988, %broadcast_in_dim3A_1008, %broadcast_in_dim3A_1028, %broadcast_in_dim3A_1048, %broadcast_in_dim3A_1068, %broadcast_in_dim3A_1088 in 1 : vector<256x1xi32>, vector<256x1xi32>, vector<256x1xi32>, vector<256x1xi32>, vector<256x1xi32>, vector<256x1xi32>, vector<256x1xi32>, vector<256x1xi32>, vector<256x1xi32>, vector<256x1xi32> -> vector<256x10xi32>
    %swap3A_1093 = arith.constant 0 : index
    %swap3A_1094 = arith.constant 0 : index
    %swap3A_1095 = vector.load %arg4[%swap3A_1093, %swap3A_1094] : memref<256x10xi32, #tpu.memory_space<vmem>>, vector<256x10xi32>
    tpu.vector_store %arg4[%swap3A_1093, %swap3A_1094], %concatenate3A {strides = array<i32>} : memref<256x10xi32, #tpu.memory_space<vmem>>, vector<256x10xi32>,
    %concatenate3A_1096 = tpu.concatenate %add3A_913, %add3A_932, %add3A_952, %add3A_972, %add3A_992, %add3A_1012, %add3A_1032, %add3A_1052, %add3A_1072, %add3A_1092 in 1 : vector<256x1xi32>, vector<256x1xi32>, vector<256x1xi32>, vector<256x1xi32>, vector<256x1xi32>, vector<256x1xi32>, vector<256x1xi32>, vector<256x1xi32>, vector<256x1xi32>, vector<256x1xi32> -> vector<256x10xi32>
    %swap3A_1097 = arith.constant 0 : index
    %swap3A_1098 = arith.constant 0 : index
    %swap3A_1099 = vector.load %arg5[%swap3A_1097, %swap3A_1098] : memref<256x10xi32, #tpu.memory_space<vmem>>, vector<256x10xi32>
    tpu.vector_store %arg5[%swap3A_1097, %swap3A_1098], %concatenate3A_1096 {strides = array<i32>} : memref<256x10xi32, #tpu.memory_space<vmem>>, vector<256x10xi32>,
    return
  }
  func.func @transform_0(%arg0: i32) -> (i32, i32) {
    %c0_i32 = arith.constant 0 : i32
    %c0_i32_0 = arith.constant 0 : i32
    return %arg0, %c0_i32 : i32, i32
  }
  func.func @transform_1(%arg0: i32) -> (i32, i32) {
    %c0_i32 = arith.constant 0 : i32
    %c0_i32_0 = arith.constant 0 : i32
    %c0_i32_1 = arith.constant 0 : i32
    return %c0_i32, %c0_i32_0 : i32, i32
  }
  func.func @transform_2(%arg0: i32) -> (i32, i32, i32) {
    %c0_i32 = arith.constant 0 : i32
    %c0_i32_0 = arith.constant 0 : i32
    %c0_i32_1 = arith.constant 0 : i32
    return %c0_i32, %arg0, %c0_i32_0 : i32, i32, i32
  }
  func.func @transform_3(%arg0: i32) -> (i32, i32) {
    %c0_i32 = arith.constant 0 : i32
    %c0_i32_0 = arith.constant 0 : i32
    return %arg0, %c0_i32 : i32, i32
  }
  func.func @transform_4(%arg0: i32) -> (i32, i32) {
    %c0_i32 = arith.constant 0 : i32
    %c0_i32_0 = arith.constant 0 : i32
    return %arg0, %c0_i32 : i32, i32
  }
}

module attributes {stable_mosaic.version = 14 : i64} {
  func.func @_topk_body(%arg0: i32, %arg1: memref<10x1024x128xf32, #tpu.memory_space<vmem>>, %arg2: memref<1024x10xi32, #tpu.memory_space<vmem>>, %arg3: memref<1024x10xf32, #tpu.memory_space<vmem>>, %arg4: memref<1024x10xi32, #tpu.memory_space<vmem>>, %arg5: memref<1024x10xf32, #tpu.memory_space<vmem>>) attributes {dimension_semantics = [#tpu.dimension_semantics<arbitrary>], iteration_bounds = array<i64: 16>, scalar_prefetch = 0 : i64, scratch_operands = 0 : i64, tpu.core_type = #tpu.core_type<tc>, window_params = [{transform_indices = @transform_0, window_bounds = array<i64: 10, 1024, 128>}, {transform_indices = @transform_1, window_bounds = array<i64: 1024, 10>}, {transform_indices = @transform_2, window_bounds = array<i64: 1024, 10>}, {transform_indices = @transform_3, window_bounds = array<i64: 1024, 10>}, {transform_indices = @transform_4, window_bounds = array<i64: 1024, 10>}]} {
    %get3A = arith.constant 0 : index
    %get3A_0 = arith.constant 0 : index
    %get3A_1 = arith.constant 0 : index
    %get3A_2 = vector.load %arg1[%get3A, %get3A_0, %get3A_1] : memref<10x1024x128xf32, #tpu.memory_space<vmem>>, vector<1x1024x128xf32>
    %get3A_3 = vector.shape_cast %get3A_2 : vector<1x1024x128xf32> to vector<1024x128xf32>
    %get3A_4 = arith.constant 1 : index
    %get3A_5 = arith.constant 0 : index
    %get3A_6 = arith.constant 0 : index
    %get3A_7 = vector.load %arg1[%get3A_4, %get3A_5, %get3A_6] : memref<10x1024x128xf32, #tpu.memory_space<vmem>>, vector<1x1024x128xf32>
    %get3A_8 = vector.shape_cast %get3A_7 : vector<1x1024x128xf32> to vector<1024x128xf32>
    %get3A_9 = arith.constant 2 : index
    %get3A_10 = arith.constant 0 : index
    %get3A_11 = arith.constant 0 : index
    %get3A_12 = vector.load %arg1[%get3A_9, %get3A_10, %get3A_11] : memref<10x1024x128xf32, #tpu.memory_space<vmem>>, vector<1x1024x128xf32>
    %get3A_13 = vector.shape_cast %get3A_12 : vector<1x1024x128xf32> to vector<1024x128xf32>
    %get3A_14 = arith.constant 3 : index
    %get3A_15 = arith.constant 0 : index
    %get3A_16 = arith.constant 0 : index
    %get3A_17 = vector.load %arg1[%get3A_14, %get3A_15, %get3A_16] : memref<10x1024x128xf32, #tpu.memory_space<vmem>>, vector<1x1024x128xf32>
    %get3A_18 = vector.shape_cast %get3A_17 : vector<1x1024x128xf32> to vector<1024x128xf32>
    %get3A_19 = arith.constant 4 : index
    %get3A_20 = arith.constant 0 : index
    %get3A_21 = arith.constant 0 : index
    %get3A_22 = vector.load %arg1[%get3A_19, %get3A_20, %get3A_21] : memref<10x1024x128xf32, #tpu.memory_space<vmem>>, vector<1x1024x128xf32>
    %get3A_23 = vector.shape_cast %get3A_22 : vector<1x1024x128xf32> to vector<1024x128xf32>
    %get3A_24 = arith.constant 5 : index
    %get3A_25 = arith.constant 0 : index
    %get3A_26 = arith.constant 0 : index
    %get3A_27 = vector.load %arg1[%get3A_24, %get3A_25, %get3A_26] : memref<10x1024x128xf32, #tpu.memory_space<vmem>>, vector<1x1024x128xf32>
    %get3A_28 = vector.shape_cast %get3A_27 : vector<1x1024x128xf32> to vector<1024x128xf32>
    %get3A_29 = arith.constant 6 : index
    %get3A_30 = arith.constant 0 : index
    %get3A_31 = arith.constant 0 : index
    %get3A_32 = vector.load %arg1[%get3A_29, %get3A_30, %get3A_31] : memref<10x1024x128xf32, #tpu.memory_space<vmem>>, vector<1x1024x128xf32>
    %get3A_33 = vector.shape_cast %get3A_32 : vector<1x1024x128xf32> to vector<1024x128xf32>
    %get3A_34 = arith.constant 7 : index
    %get3A_35 = arith.constant 0 : index
    %get3A_36 = arith.constant 0 : index
    %get3A_37 = vector.load %arg1[%get3A_34, %get3A_35, %get3A_36] : memref<10x1024x128xf32, #tpu.memory_space<vmem>>, vector<1x1024x128xf32>
    %get3A_38 = vector.shape_cast %get3A_37 : vector<1x1024x128xf32> to vector<1024x128xf32>
    %get3A_39 = arith.constant 8 : index
    %get3A_40 = arith.constant 0 : index
    %get3A_41 = arith.constant 0 : index
    %get3A_42 = vector.load %arg1[%get3A_39, %get3A_40, %get3A_41] : memref<10x1024x128xf32, #tpu.memory_space<vmem>>, vector<1x1024x128xf32>
    %get3A_43 = vector.shape_cast %get3A_42 : vector<1x1024x128xf32> to vector<1024x128xf32>
    %get3A_44 = arith.constant 9 : index
    %get3A_45 = arith.constant 0 : index
    %get3A_46 = arith.constant 0 : index
    %get3A_47 = vector.load %arg1[%get3A_44, %get3A_45, %get3A_46] : memref<10x1024x128xf32, #tpu.memory_space<vmem>>, vector<1x1024x128xf32>
    %get3A_48 = vector.shape_cast %get3A_47 : vector<1x1024x128xf32> to vector<1024x128xf32>
    %concatenate3A = tpu.concatenate %get3A_3, %get3A_8, %get3A_13, %get3A_18, %get3A_23, %get3A_28, %get3A_33, %get3A_38, %get3A_43, %get3A_48 in 1 : vector<1024x128xf32>, vector<1024x128xf32>, vector<1024x128xf32>, vector<1024x128xf32>, vector<1024x128xf32>, vector<1024x128xf32>, vector<1024x128xf32>, vector<1024x128xf32>, vector<1024x128xf32>, vector<1024x128xf32> -> vector<1024x1280xf32>
    %get3A_49 = arith.constant 0 : index
    %get3A_50 = arith.constant 0 : index
    %get3A_51 = vector.load %arg2[%get3A_49, %get3A_50] : memref<1024x10xi32, #tpu.memory_space<vmem>>, vector<1024x10xi32>
    %broadcast_in_dim3A = vector.shape_cast %get3A_51 : vector<1024x10xi32> to vector<1024x10x1xi32>
    %broadcast_in_dim3A_52 = vector.shape_cast %broadcast_in_dim3A : vector<1024x10x1xi32> to vector<1024x10x1xi32>
    %broadcast_in_dim3A_53 = vector.broadcast %broadcast_in_dim3A_52 : vector<1024x10x1xi32> to vector<1024x10x128xi32>
    %iota3A = tpu.iota {dimensions = array<i32: 2>} : vector<1024x10x128xi32>
    %mul3A = arith.constant 128 : i32
    %mul3A_54 = vector.broadcast %mul3A : i32 to vector<1024x10x128xi32>
    %mul3A_55 = arith.muli %broadcast_in_dim3A_53, %mul3A_54 : vector<1024x10x128xi32>
    %add3A = arith.addi %mul3A_55, %iota3A : vector<1024x10x128xi32>
    %reshape3A = vector.shape_cast %add3A : vector<1024x10x128xi32> to vector<1024x1280xi32>
    %reduce_max3A = arith.constant dense<0xFF800000> : vector<1024xf32>
    %reduce_max3A_56 = vector.multi_reduction <maximumf>, %concatenate3A, %reduce_max3A [1] : vector<1024x1280xf32> to vector<1024xf32>
    %broadcast_in_dim3A_57 = vector.shape_cast %reduce_max3A_56 : vector<1024xf32> to vector<1024x1xf32>
    %ge3A = vector.broadcast %broadcast_in_dim3A_57 : vector<1024x1xf32> to vector<1024x1280xf32>
    %ge3A_58 = arith.cmpf oge, %concatenate3A, %ge3A : vector<1024x1280xf32>
    %jit3A = arith.constant 16384 : i32
    %broadcast_in_dim3A_59 = vector.broadcast %jit3A : i32 to vector<1024x1280xi32>
    %select_n3A = arith.select %ge3A_58, %reshape3A, %broadcast_in_dim3A_59 : vector<1024x1280xi1>, vector<1024x1280xi32>
    %reduce_min3A = arith.constant dense<2147483647> : vector<1024xi32>
    %reduce_min3A_60 = vector.multi_reduction <minsi>, %select_n3A, %reduce_min3A [1] : vector<1024x1280xi32> to vector<1024xi32>
    %broadcast_in_dim3A_61 = vector.shape_cast %reduce_min3A_60 : vector<1024xi32> to vector<1024x1xi32>
    %eq3A = vector.broadcast %broadcast_in_dim3A_61 : vector<1024x1xi32> to vector<1024x1280xi32>
    %eq3A_62 = arith.cmpi eq, %reshape3A, %eq3A : vector<1024x1280xi32>
    %jit3A_63 = arith.constant 0xFF800000 : f32
    %broadcast_in_dim3A_64 = vector.broadcast %jit3A_63 : f32 to vector<1024x1280xf32>
    %select_n3A_65 = arith.select %eq3A_62, %broadcast_in_dim3A_64, %concatenate3A : vector<1024x1280xi1>, vector<1024x1280xf32>
    %reduce_max3A_66 = arith.constant dense<0xFF800000> : vector<1024xf32>
    %reduce_max3A_67 = vector.multi_reduction <maximumf>, %select_n3A_65, %reduce_max3A_66 [1] : vector<1024x1280xf32> to vector<1024xf32>
    %broadcast_in_dim3A_68 = vector.shape_cast %reduce_max3A_67 : vector<1024xf32> to vector<1024x1xf32>
    %ge3A_69 = vector.broadcast %broadcast_in_dim3A_68 : vector<1024x1xf32> to vector<1024x1280xf32>
    %ge3A_70 = arith.cmpf oge, %select_n3A_65, %ge3A_69 : vector<1024x1280xf32>
    %jit3A_71 = arith.constant 16384 : i32
    %broadcast_in_dim3A_72 = vector.broadcast %jit3A_71 : i32 to vector<1024x1280xi32>
    %select_n3A_73 = arith.select %ge3A_70, %reshape3A, %broadcast_in_dim3A_72 : vector<1024x1280xi1>, vector<1024x1280xi32>
    %reduce_min3A_74 = arith.constant dense<2147483647> : vector<1024xi32>
    %reduce_min3A_75 = vector.multi_reduction <minsi>, %select_n3A_73, %reduce_min3A_74 [1] : vector<1024x1280xi32> to vector<1024xi32>
    %broadcast_in_dim3A_76 = vector.shape_cast %reduce_min3A_75 : vector<1024xi32> to vector<1024x1xi32>
    %eq3A_77 = vector.broadcast %broadcast_in_dim3A_76 : vector<1024x1xi32> to vector<1024x1280xi32>
    %eq3A_78 = arith.cmpi eq, %reshape3A, %eq3A_77 : vector<1024x1280xi32>
    %jit3A_79 = arith.constant 0xFF800000 : f32
    %broadcast_in_dim3A_80 = vector.broadcast %jit3A_79 : f32 to vector<1024x1280xf32>
    %select_n3A_81 = arith.select %eq3A_78, %broadcast_in_dim3A_80, %select_n3A_65 : vector<1024x1280xi1>, vector<1024x1280xf32>
    %reduce_max3A_82 = arith.constant dense<0xFF800000> : vector<1024xf32>
    %reduce_max3A_83 = vector.multi_reduction <maximumf>, %select_n3A_81, %reduce_max3A_82 [1] : vector<1024x1280xf32> to vector<1024xf32>
    %broadcast_in_dim3A_84 = vector.shape_cast %reduce_max3A_83 : vector<1024xf32> to vector<1024x1xf32>
    %ge3A_85 = vector.broadcast %broadcast_in_dim3A_84 : vector<1024x1xf32> to vector<1024x1280xf32>
    %ge3A_86 = arith.cmpf oge, %select_n3A_81, %ge3A_85 : vector<1024x1280xf32>
    %jit3A_87 = arith.constant 16384 : i32
    %broadcast_in_dim3A_88 = vector.broadcast %jit3A_87 : i32 to vector<1024x1280xi32>
    %select_n3A_89 = arith.select %ge3A_86, %reshape3A, %broadcast_in_dim3A_88 : vector<1024x1280xi1>, vector<1024x1280xi32>
    %reduce_min3A_90 = arith.constant dense<2147483647> : vector<1024xi32>
    %reduce_min3A_91 = vector.multi_reduction <minsi>, %select_n3A_89, %reduce_min3A_90 [1] : vector<1024x1280xi32> to vector<1024xi32>
    %broadcast_in_dim3A_92 = vector.shape_cast %reduce_min3A_91 : vector<1024xi32> to vector<1024x1xi32>
    %eq3A_93 = vector.broadcast %broadcast_in_dim3A_92 : vector<1024x1xi32> to vector<1024x1280xi32>
    %eq3A_94 = arith.cmpi eq, %reshape3A, %eq3A_93 : vector<1024x1280xi32>
    %jit3A_95 = arith.constant 0xFF800000 : f32
    %broadcast_in_dim3A_96 = vector.broadcast %jit3A_95 : f32 to vector<1024x1280xf32>
    %select_n3A_97 = arith.select %eq3A_94, %broadcast_in_dim3A_96, %select_n3A_81 : vector<1024x1280xi1>, vector<1024x1280xf32>
    %reduce_max3A_98 = arith.constant dense<0xFF800000> : vector<1024xf32>
    %reduce_max3A_99 = vector.multi_reduction <maximumf>, %select_n3A_97, %reduce_max3A_98 [1] : vector<1024x1280xf32> to vector<1024xf32>
    %broadcast_in_dim3A_100 = vector.shape_cast %reduce_max3A_99 : vector<1024xf32> to vector<1024x1xf32>
    %ge3A_101 = vector.broadcast %broadcast_in_dim3A_100 : vector<1024x1xf32> to vector<1024x1280xf32>
    %ge3A_102 = arith.cmpf oge, %select_n3A_97, %ge3A_101 : vector<1024x1280xf32>
    %jit3A_103 = arith.constant 16384 : i32
    %broadcast_in_dim3A_104 = vector.broadcast %jit3A_103 : i32 to vector<1024x1280xi32>
    %select_n3A_105 = arith.select %ge3A_102, %reshape3A, %broadcast_in_dim3A_104 : vector<1024x1280xi1>, vector<1024x1280xi32>
    %reduce_min3A_106 = arith.constant dense<2147483647> : vector<1024xi32>
    %reduce_min3A_107 = vector.multi_reduction <minsi>, %select_n3A_105, %reduce_min3A_106 [1] : vector<1024x1280xi32> to vector<1024xi32>
    %broadcast_in_dim3A_108 = vector.shape_cast %reduce_min3A_107 : vector<1024xi32> to vector<1024x1xi32>
    %eq3A_109 = vector.broadcast %broadcast_in_dim3A_108 : vector<1024x1xi32> to vector<1024x1280xi32>
    %eq3A_110 = arith.cmpi eq, %reshape3A, %eq3A_109 : vector<1024x1280xi32>
    %jit3A_111 = arith.constant 0xFF800000 : f32
    %broadcast_in_dim3A_112 = vector.broadcast %jit3A_111 : f32 to vector<1024x1280xf32>
    %select_n3A_113 = arith.select %eq3A_110, %broadcast_in_dim3A_112, %select_n3A_97 : vector<1024x1280xi1>, vector<1024x1280xf32>
    %reduce_max3A_114 = arith.constant dense<0xFF800000> : vector<1024xf32>
    %reduce_max3A_115 = vector.multi_reduction <maximumf>, %select_n3A_113, %reduce_max3A_114 [1] : vector<1024x1280xf32> to vector<1024xf32>
    %broadcast_in_dim3A_116 = vector.shape_cast %reduce_max3A_115 : vector<1024xf32> to vector<1024x1xf32>
    %ge3A_117 = vector.broadcast %broadcast_in_dim3A_116 : vector<1024x1xf32> to vector<1024x1280xf32>
    %ge3A_118 = arith.cmpf oge, %select_n3A_113, %ge3A_117 : vector<1024x1280xf32>
    %jit3A_119 = arith.constant 16384 : i32
    %broadcast_in_dim3A_120 = vector.broadcast %jit3A_119 : i32 to vector<1024x1280xi32>
    %select_n3A_121 = arith.select %ge3A_118, %reshape3A, %broadcast_in_dim3A_120 : vector<1024x1280xi1>, vector<1024x1280xi32>
    %reduce_min3A_122 = arith.constant dense<2147483647> : vector<1024xi32>
    %reduce_min3A_123 = vector.multi_reduction <minsi>, %select_n3A_121, %reduce_min3A_122 [1] : vector<1024x1280xi32> to vector<1024xi32>
    %broadcast_in_dim3A_124 = vector.shape_cast %reduce_min3A_123 : vector<1024xi32> to vector<1024x1xi32>
    %eq3A_125 = vector.broadcast %broadcast_in_dim3A_124 : vector<1024x1xi32> to vector<1024x1280xi32>
    %eq3A_126 = arith.cmpi eq, %reshape3A, %eq3A_125 : vector<1024x1280xi32>
    %jit3A_127 = arith.constant 0xFF800000 : f32
    %broadcast_in_dim3A_128 = vector.broadcast %jit3A_127 : f32 to vector<1024x1280xf32>
    %select_n3A_129 = arith.select %eq3A_126, %broadcast_in_dim3A_128, %select_n3A_113 : vector<1024x1280xi1>, vector<1024x1280xf32>
    %reduce_max3A_130 = arith.constant dense<0xFF800000> : vector<1024xf32>
    %reduce_max3A_131 = vector.multi_reduction <maximumf>, %select_n3A_129, %reduce_max3A_130 [1] : vector<1024x1280xf32> to vector<1024xf32>
    %broadcast_in_dim3A_132 = vector.shape_cast %reduce_max3A_131 : vector<1024xf32> to vector<1024x1xf32>
    %ge3A_133 = vector.broadcast %broadcast_in_dim3A_132 : vector<1024x1xf32> to vector<1024x1280xf32>
    %ge3A_134 = arith.cmpf oge, %select_n3A_129, %ge3A_133 : vector<1024x1280xf32>
    %jit3A_135 = arith.constant 16384 : i32
    %broadcast_in_dim3A_136 = vector.broadcast %jit3A_135 : i32 to vector<1024x1280xi32>
    %select_n3A_137 = arith.select %ge3A_134, %reshape3A, %broadcast_in_dim3A_136 : vector<1024x1280xi1>, vector<1024x1280xi32>
    %reduce_min3A_138 = arith.constant dense<2147483647> : vector<1024xi32>
    %reduce_min3A_139 = vector.multi_reduction <minsi>, %select_n3A_137, %reduce_min3A_138 [1] : vector<1024x1280xi32> to vector<1024xi32>
    %broadcast_in_dim3A_140 = vector.shape_cast %reduce_min3A_139 : vector<1024xi32> to vector<1024x1xi32>
    %eq3A_141 = vector.broadcast %broadcast_in_dim3A_140 : vector<1024x1xi32> to vector<1024x1280xi32>
    %eq3A_142 = arith.cmpi eq, %reshape3A, %eq3A_141 : vector<1024x1280xi32>
    %jit3A_143 = arith.constant 0xFF800000 : f32
    %broadcast_in_dim3A_144 = vector.broadcast %jit3A_143 : f32 to vector<1024x1280xf32>
    %select_n3A_145 = arith.select %eq3A_142, %broadcast_in_dim3A_144, %select_n3A_129 : vector<1024x1280xi1>, vector<1024x1280xf32>
    %reduce_max3A_146 = arith.constant dense<0xFF800000> : vector<1024xf32>
    %reduce_max3A_147 = vector.multi_reduction <maximumf>, %select_n3A_145, %reduce_max3A_146 [1] : vector<1024x1280xf32> to vector<1024xf32>
    %broadcast_in_dim3A_148 = vector.shape_cast %reduce_max3A_147 : vector<1024xf32> to vector<1024x1xf32>
    %ge3A_149 = vector.broadcast %broadcast_in_dim3A_148 : vector<1024x1xf32> to vector<1024x1280xf32>
    %ge3A_150 = arith.cmpf oge, %select_n3A_145, %ge3A_149 : vector<1024x1280xf32>
    %jit3A_151 = arith.constant 16384 : i32
    %broadcast_in_dim3A_152 = vector.broadcast %jit3A_151 : i32 to vector<1024x1280xi32>
    %select_n3A_153 = arith.select %ge3A_150, %reshape3A, %broadcast_in_dim3A_152 : vector<1024x1280xi1>, vector<1024x1280xi32>
    %reduce_min3A_154 = arith.constant dense<2147483647> : vector<1024xi32>
    %reduce_min3A_155 = vector.multi_reduction <minsi>, %select_n3A_153, %reduce_min3A_154 [1] : vector<1024x1280xi32> to vector<1024xi32>
    %broadcast_in_dim3A_156 = vector.shape_cast %reduce_min3A_155 : vector<1024xi32> to vector<1024x1xi32>
    %eq3A_157 = vector.broadcast %broadcast_in_dim3A_156 : vector<1024x1xi32> to vector<1024x1280xi32>
    %eq3A_158 = arith.cmpi eq, %reshape3A, %eq3A_157 : vector<1024x1280xi32>
    %jit3A_159 = arith.constant 0xFF800000 : f32
    %broadcast_in_dim3A_160 = vector.broadcast %jit3A_159 : f32 to vector<1024x1280xf32>
    %select_n3A_161 = arith.select %eq3A_158, %broadcast_in_dim3A_160, %select_n3A_145 : vector<1024x1280xi1>, vector<1024x1280xf32>
    %reduce_max3A_162 = arith.constant dense<0xFF800000> : vector<1024xf32>
    %reduce_max3A_163 = vector.multi_reduction <maximumf>, %select_n3A_161, %reduce_max3A_162 [1] : vector<1024x1280xf32> to vector<1024xf32>
    %broadcast_in_dim3A_164 = vector.shape_cast %reduce_max3A_163 : vector<1024xf32> to vector<1024x1xf32>
    %ge3A_165 = vector.broadcast %broadcast_in_dim3A_164 : vector<1024x1xf32> to vector<1024x1280xf32>
    %ge3A_166 = arith.cmpf oge, %select_n3A_161, %ge3A_165 : vector<1024x1280xf32>
    %jit3A_167 = arith.constant 16384 : i32
    %broadcast_in_dim3A_168 = vector.broadcast %jit3A_167 : i32 to vector<1024x1280xi32>
    %select_n3A_169 = arith.select %ge3A_166, %reshape3A, %broadcast_in_dim3A_168 : vector<1024x1280xi1>, vector<1024x1280xi32>
    %reduce_min3A_170 = arith.constant dense<2147483647> : vector<1024xi32>
    %reduce_min3A_171 = vector.multi_reduction <minsi>, %select_n3A_169, %reduce_min3A_170 [1] : vector<1024x1280xi32> to vector<1024xi32>
    %broadcast_in_dim3A_172 = vector.shape_cast %reduce_min3A_171 : vector<1024xi32> to vector<1024x1xi32>
    %eq3A_173 = vector.broadcast %broadcast_in_dim3A_172 : vector<1024x1xi32> to vector<1024x1280xi32>
    %eq3A_174 = arith.cmpi eq, %reshape3A, %eq3A_173 : vector<1024x1280xi32>
    %jit3A_175 = arith.constant 0xFF800000 : f32
    %broadcast_in_dim3A_176 = vector.broadcast %jit3A_175 : f32 to vector<1024x1280xf32>
    %select_n3A_177 = arith.select %eq3A_174, %broadcast_in_dim3A_176, %select_n3A_161 : vector<1024x1280xi1>, vector<1024x1280xf32>
    %reduce_max3A_178 = arith.constant dense<0xFF800000> : vector<1024xf32>
    %reduce_max3A_179 = vector.multi_reduction <maximumf>, %select_n3A_177, %reduce_max3A_178 [1] : vector<1024x1280xf32> to vector<1024xf32>
    %broadcast_in_dim3A_180 = vector.shape_cast %reduce_max3A_179 : vector<1024xf32> to vector<1024x1xf32>
    %ge3A_181 = vector.broadcast %broadcast_in_dim3A_180 : vector<1024x1xf32> to vector<1024x1280xf32>
    %ge3A_182 = arith.cmpf oge, %select_n3A_177, %ge3A_181 : vector<1024x1280xf32>
    %jit3A_183 = arith.constant 16384 : i32
    %broadcast_in_dim3A_184 = vector.broadcast %jit3A_183 : i32 to vector<1024x1280xi32>
    %select_n3A_185 = arith.select %ge3A_182, %reshape3A, %broadcast_in_dim3A_184 : vector<1024x1280xi1>, vector<1024x1280xi32>
    %reduce_min3A_186 = arith.constant dense<2147483647> : vector<1024xi32>
    %reduce_min3A_187 = vector.multi_reduction <minsi>, %select_n3A_185, %reduce_min3A_186 [1] : vector<1024x1280xi32> to vector<1024xi32>
    %broadcast_in_dim3A_188 = vector.shape_cast %reduce_min3A_187 : vector<1024xi32> to vector<1024x1xi32>
    %eq3A_189 = vector.broadcast %broadcast_in_dim3A_188 : vector<1024x1xi32> to vector<1024x1280xi32>
    %eq3A_190 = arith.cmpi eq, %reshape3A, %eq3A_189 : vector<1024x1280xi32>
    %jit3A_191 = arith.constant 0xFF800000 : f32
    %broadcast_in_dim3A_192 = vector.broadcast %jit3A_191 : f32 to vector<1024x1280xf32>
    %select_n3A_193 = arith.select %eq3A_190, %broadcast_in_dim3A_192, %select_n3A_177 : vector<1024x1280xi1>, vector<1024x1280xf32>
    %reduce_max3A_194 = arith.constant dense<0xFF800000> : vector<1024xf32>
    %reduce_max3A_195 = vector.multi_reduction <maximumf>, %select_n3A_193, %reduce_max3A_194 [1] : vector<1024x1280xf32> to vector<1024xf32>
    %broadcast_in_dim3A_196 = vector.shape_cast %reduce_max3A_195 : vector<1024xf32> to vector<1024x1xf32>
    %ge3A_197 = vector.broadcast %broadcast_in_dim3A_196 : vector<1024x1xf32> to vector<1024x1280xf32>
    %ge3A_198 = arith.cmpf oge, %select_n3A_193, %ge3A_197 : vector<1024x1280xf32>
    %jit3A_199 = arith.constant 16384 : i32
    %broadcast_in_dim3A_200 = vector.broadcast %jit3A_199 : i32 to vector<1024x1280xi32>
    %select_n3A_201 = arith.select %ge3A_198, %reshape3A, %broadcast_in_dim3A_200 : vector<1024x1280xi1>, vector<1024x1280xi32>
    %reduce_min3A_202 = arith.constant dense<2147483647> : vector<1024xi32>
    %reduce_min3A_203 = vector.multi_reduction <minsi>, %select_n3A_201, %reduce_min3A_202 [1] : vector<1024x1280xi32> to vector<1024xi32>
    %broadcast_in_dim3A_204 = vector.shape_cast %reduce_min3A_203 : vector<1024xi32> to vector<1024x1xi32>
    %concatenate3A_205 = tpu.concatenate %broadcast_in_dim3A_57, %broadcast_in_dim3A_68, %broadcast_in_dim3A_84, %broadcast_in_dim3A_100, %broadcast_in_dim3A_116, %broadcast_in_dim3A_132, %broadcast_in_dim3A_148, %broadcast_in_dim3A_164, %broadcast_in_dim3A_180, %broadcast_in_dim3A_196 in 1 : vector<1024x1xf32>, vector<1024x1xf32>, vector<1024x1xf32>, vector<1024x1xf32>, vector<1024x1xf32>, vector<1024x1xf32>, vector<1024x1xf32>, vector<1024x1xf32>, vector<1024x1xf32>, vector<1024x1xf32> -> vector<1024x10xf32>
    %swap3A = arith.constant 0 : index
    %swap3A_206 = arith.constant 0 : index
    %swap3A_207 = vector.load %arg3[%swap3A, %swap3A_206] : memref<1024x10xf32, #tpu.memory_space<vmem>>, vector<1024x10xf32>
    tpu.vector_store %arg3[%swap3A, %swap3A_206], %concatenate3A_205 {strides = array<i32>} : memref<1024x10xf32, #tpu.memory_space<vmem>>, vector<1024x10xf32>,
    %concatenate3A_208 = tpu.concatenate %broadcast_in_dim3A_61, %broadcast_in_dim3A_76, %broadcast_in_dim3A_92, %broadcast_in_dim3A_108, %broadcast_in_dim3A_124, %broadcast_in_dim3A_140, %broadcast_in_dim3A_156, %broadcast_in_dim3A_172, %broadcast_in_dim3A_188, %broadcast_in_dim3A_204 in 1 : vector<1024x1xi32>, vector<1024x1xi32>, vector<1024x1xi32>, vector<1024x1xi32>, vector<1024x1xi32>, vector<1024x1xi32>, vector<1024x1xi32>, vector<1024x1xi32>, vector<1024x1xi32>, vector<1024x1xi32> -> vector<1024x10xi32>
    %swap3A_209 = arith.constant 0 : index
    %swap3A_210 = arith.constant 0 : index
    %swap3A_211 = vector.load %arg4[%swap3A_209, %swap3A_210] : memref<1024x10xi32, #tpu.memory_space<vmem>>, vector<1024x10xi32>
    tpu.vector_store %arg4[%swap3A_209, %swap3A_210], %concatenate3A_208 {strides = array<i32>} : memref<1024x10xi32, #tpu.memory_space<vmem>>, vector<1024x10xi32>,
    %add3A_212 = arith.constant 1.000000e+01 : f32
    %add3A_213 = arith.constant 1.000000e-07 : f32
    %add3A_214 = arith.addf %add3A_212, %add3A_213 : f32
    %pow3A = arith.constant -5.000000e-01 : f32
    %pow3A_215 = math.powf %add3A_214, %pow3A : f32
    %mul3A_216 = arith.mulf %pow3A_215, %pow3A_215 : f32
    %broadcast_in_dim3A_217 = vector.broadcast %mul3A_216 : f32 to vector<1024x10xf32>
    %swap3A_218 = arith.constant 0 : index
    %swap3A_219 = arith.constant 0 : index
    %swap3A_220 = vector.load %arg5[%swap3A_218, %swap3A_219] : memref<1024x10xf32, #tpu.memory_space<vmem>>, vector<1024x10xf32>
    tpu.vector_store %arg5[%swap3A_218, %swap3A_219], %broadcast_in_dim3A_217 {strides = array<i32>} : memref<1024x10xf32, #tpu.memory_space<vmem>>, vector<1024x10xf32>,
    return
  }
  func.func @transform_0(%arg0: i32) -> (i32, i32, i32) {
    %c0_i32 = arith.constant 0 : i32
    %c0_i32_0 = arith.constant 0 : i32
    %c0_i32_1 = arith.constant 0 : i32
    return %c0_i32, %arg0, %c0_i32_0 : i32, i32, i32
  }
  func.func @transform_1(%arg0: i32) -> (i32, i32) {
    %c0_i32 = arith.constant 0 : i32
    %c0_i32_0 = arith.constant 0 : i32
    return %arg0, %c0_i32 : i32, i32
  }
  func.func @transform_2(%arg0: i32) -> (i32, i32) {
    %c0_i32 = arith.constant 0 : i32
    %c0_i32_0 = arith.constant 0 : i32
    return %arg0, %c0_i32 : i32, i32
  }
  func.func @transform_3(%arg0: i32) -> (i32, i32) {
    %c0_i32 = arith.constant 0 : i32
    %c0_i32_0 = arith.constant 0 : i32
    return %arg0, %c0_i32 : i32, i32
  }
  func.func @transform_4(%arg0: i32) -> (i32, i32) {
    %c0_i32 = arith.constant 0 : i32
    %c0_i32_0 = arith.constant 0 : i32
    return %arg0, %c0_i32 : i32, i32
  }
}

</mosaic_0001>

<sc_bundles>
// kernel: kernel.6.cloned.1.call-start
scs
__scs_entry_jumppad:
0x0: {  	(pc) =	sbr.rel $0x88, $3  }
0x1: {  	(tag) =	ssettag $0x0;
	lr =	simm.s32 $0x1  }
0x2: {  	[smem:$0x3FA0] =	sst lr;
	_ =	strace $0xD0000000  }
0x3: {  	_ = 	snop  }
0x4: {  	_ = 	snop  }
0x5: {  	_ = 	snop  }
0x6: {  	_ = 	snop  }
0x7: {  	_ = 	snop  }
__scs_overlays_trampoline_lowered:
0x8: {  	[smem:$0x3FAF] =	sst s0  }
0x9: {  	[smem:$0x3FB0] =	sst s1  }
0xa: {  	[smem:$0x3FB1] =	sst s2  }
0xb: {  	[smem:$0x3FB2] =	sst s3  }
0xc: {  	[smem:$0x3FB3] =	sst s4  }
0xd: {  	[smem:$0x3FB4] =	sst s5  }
0xe: {  	[smem:$0x3FB5] =	sst s6  }
0xf: {  	[smem:$0x3FB6] =	sst s7  }
0x10: {  	[smem:$0x3FB7] =	sst s8  }
0x11: {  	[smem:$0x3FB8] =	sst s9;
	s0 =	simm.s32 @!p0 $0x0  }
0x12: {  	s1 =	sld [smem:$0x3F9E];
	s0 =	simm.s32 @p0 $0x1  }
0x13: {  	[smem:$0x3FB9] =	sst s0;
	s0 =	simm.s32 @!p1 $0x0  }
0x14: {  	s2 =	sld [smem:$0x3F9D];
	s0 =	simm.s32 @p1 $0x1  }
0x15: {  	[smem:$0x3FBA] =	sst s0;
	s0 =	simm.s32 @!p2 $0x0  }
0x16: {  	s3 =	sld [smem:$0x3FDB];
	s0 =	simm.s32 @p2 $0x1  }
0x17: {  	s4 =	simm.s32 $0x1BF5;
	[smem:$0x3FBC] =	sst s0  }
0x18: {  	s0 =	sld [smem:$0x3F9F];
	_ =	swait.ge [sflag:s4], $0x0  }
0x19: {  	s7 =	sld [smem:$0x3FA0]  }
0x1a: {  	s8 =	sadd.s32 $0xFFFFE003, lr  }
0x1b: {  	s9 =	sadd.s32 $0xFFFFFEF7, lr;
	s5 =	simm.s32 $0xFFFFFFFF;
	p2 =	slt.u32 s8, $0xFFFFF086  }
0x1c: {  	p1 =	slt.u32 s9, $0xF7A;
	s5 =	simm.s32 @!p2 $0x0  }
0x1d: {  	s5 =	simm.s32 @p1 $0x1;
	p0 =	seq.s32 s7, s2  }
0x1e: {  	s7 =	smul.u32 @!p0 $0xF7A, s2;
	p2 =	seq.s32 @!p0 s5, $0x0  }
0x1f: {  	s9 =	smul.u32 $0xF7A, s1;
	s8 =	simm.s32 @!p0 $0x1BF5;
	p2 =	por !p2, p0  }
0x20: {  	[sflag:s8] =	ssyncset.s32 @!p0 $0xFFFFF086;
	s6 =	sadd.s32 @!p0 s3, s7;
	s7 =	simm.s32 @!p0 $0x108  }
0x21: {  	s3 =	sadd.s32 s3, s9;
	s6 =	sadd.s32 @!p0 $0x88, s6;
	s7 =	simm.s32 @p2 $0x1082  }
0x22: {  	[simem:s7], [sflag:s8] =	dma.local @!p0 [hbm:s6], $0xF7A  }
0x23: {  	s9 =	sor.u32 $0xD0000000, s2;
	s6 =	simm.s32 $0x108;
	_ =	swait.ge @!p0 [sflag:s8], $0x0  }
0x24: {  	s3 =	sadd.s32 $0x88, s3;
	s6 =	simm.s32 @!p1 $0x1082;
	[sflag:s4] =	ssyncset.s32 $0xFFFFF086  }
0x25: {  	[simem:s6], [sflag:s4] =	dma.local [hbm:s3], $0xF7A  }
0x26: {  	[smem:$0x3FA0] =	sst s1;
	(tag) =	ssettag s2;
	_ =	strace s9  }
0x27: {  	s1 =	sld [smem:$0x3FB0]  }
0x28: {  	s2 =	sld [smem:$0x3FB1]  }
0x29: {  	s4 =	sld [smem:$0x3FB3]  }
0x2a: {  	p0 =	seq.s32 s5, $0x0;
	s5 =	sld [smem:$0x3FB4]  }
0x2b: {  	s6 =	sld [smem:$0x3FB5]  }
0x2c: {  	s7 =	sld [smem:$0x3FB6]  }
0x2d: {  	s3 =	simm.s32 $0x108;
	s8 =	sld [smem:$0x3FB7]  }
0x2e: {  	s3 =	simm.s32 @!p0 $0x1082;
	s9 =	sld [smem:$0x3FB8]  }
0x2f: {  	lr =	sadd.s32 s0, s3;
	s0 =	sld [smem:$0x3FAF]  }
0x30: {  	s3 =	sld [smem:$0x3FB2]  }
0x31: {  	[smem:$0x3FBB] =	sst s10  }
0x32: {  	s10 =	sld [smem:$0x3FB9];
	_ =	sdelay $0x3  }
0x33: {  	p0 =	seq.s32 s10, $0x1;
	s10 =	sld [smem:$0x3FBB];
	_ =	sdelay $0x3  }
0x34: {  	[smem:$0x3FBB] =	sst s10  }
0x35: {  	s10 =	sld [smem:$0x3FBA];
	_ =	sdelay $0x3  }
0x36: {  	p1 =	seq.s32 s10, $0x1;
	s10 =	sld [smem:$0x3FBB];
	_ =	sdelay $0x3  }
0x37: {  	[smem:$0x3FBB] =	sst s10  }
0x38: {  	s10 =	sld [smem:$0x3FBC]  }
0x39: {  	_ = 	snop;
	(pc) =	sbr.ind lr, $3  }
0x3a: {  	_ = 	snop  }
0x3b: {  	_ = 	snop  }
0x3c: {  	p2 =	seq.s32 s10, $0x1;
	s10 =	sld [smem:$0x3FBB]  }
0x3d: {  	_ =	shalt  }
0x3e: {  	_ =	shalt  }
0x3f: {  	_ =	shalt  }
0x40: {  	_ =	shalt  }
0x41: {  	_ =	shalt  }
0x42: {  	_ =	shalt  }
0x43: {  	_ =	shalt  }
0x44: {  	_ =	shalt  }
0x45: {  	_ =	shalt  }
0x46: {  	_ =	shalt  }
0x47: {  	_ =	shalt  }
0x48: {  	_ =	shalt  }
0x49: {  	_ =	shalt  }
0x4a: {  	_ =	shalt  }
0x4b: {  	_ =	shalt  }
0x4c: {  	_ =	shalt  }
0x4d: {  	_ =	shalt  }
0x4e: {  	_ =	shalt  }
0x4f: {  	_ =	shalt  }
0x50: {  	_ =	shalt  }
0x51: {  	_ =	shalt  }
0x52: {  	_ =	shalt  }
0x53: {  	_ =	shalt  }
0x54: {  	_ =	shalt  }
0x55: {  	_ =	shalt  }
0x56: {  	_ =	shalt  }
0x57: {  	_ =	shalt  }
0x58: {  	_ =	shalt  }
0x59: {  	_ =	shalt  }
0x5a: {  	_ =	shalt  }
0x5b: {  	_ =	shalt  }
0x5c: {  	_ =	shalt  }
0x5d: {  	_ =	shalt  }
0x5e: {  	_ =	shalt  }
0x5f: {  	_ =	shalt  }
0x60: {  	_ =	shalt  }
0x61: {  	_ =	shalt  }
0x62: {  	_ =	shalt  }
0x63: {  	_ =	shalt  }
0x64: {  	_ =	shalt  }
0x65: {  	_ =	shalt  }
0x66: {  	_ =	shalt  }
0x67: {  	_ =	shalt  }
0x68: {  	_ =	shalt  }
0x69: {  	_ =	shalt  }
0x6a: {  	_ =	shalt  }
0x6b: {  	_ =	shalt  }
0x6c: {  	_ =	shalt  }
0x6d: {  	_ =	shalt  }
0x6e: {  	_ =	shalt  }
0x6f: {  	_ =	shalt  }
0x70: {  	_ =	shalt  }
0x71: {  	_ =	shalt  }
0x72: {  	_ =	shalt  }
0x73: {  	_ =	shalt  }
0x74: {  	_ =	shalt  }
0x75: {  	_ =	shalt  }
0x76: {  	_ =	shalt  }
0x77: {  	_ =	shalt  }
0x78: {  	_ =	shalt  }
0x79: {  	_ =	shalt  }
0x7a: {  	_ =	shalt  }
0x7b: {  	_ =	shalt  }
0x7c: {  	_ =	shalt  }
0x7d: {  	_ =	shalt  }
0x7e: {  	_ =	shalt  }
0x7f: {  	_ =	shalt  }
0x80: {  	_ =	shalt  }
0x81: {  	_ =	shalt  }
0x82: {  	_ =	shalt  }
0x83: {  	_ =	shalt  }
0x84: {  	_ =	shalt  }
0x85: {  	_ =	shalt  }
0x86: {  	_ =	shalt  }
0x87: {  	_ =	shalt  }
.Lfunc_end0:
.L_simem_size_0:
called_computation_lowered:
.L_overlay_start_0:
0x88: {  	s2 =	sld [smem:$0x3FD9]  }
0x89: {  	s3 =	sld [smem:$0x3FFE];
	_ =	sdelay $0x1  }
0x8a: {  	s1 =	srdreg.scid  }
0x8b: {  	s0 =	sand.u32 $0x1, s1  }
0x8c: {  	s14 =	sshll.u32 s0, $0xA;
	s2 =	sadd.s32 s3, s2  }
0x8d: {  	s2 =	sadd.s32 s2, s14  }
0x8e: {  	[smem:$0x3FC7] =	sst s2  }
0x8f: {  	_ = 	snop  }
0x90: {  	s2 =	sld [smem:$0x3FD0];
	_ =	sdelay $0x2  }
0x91: {  	s15 =	simm.s32 $0xA;
	s4 =	simm.s32 $0x10  }
0x92: {  	[smem:s4], [sflag:s15] =	dma.local [hbm:s2], $0x1  }
0x93: {  	_ =	swait.eq [sflag:s15], $0x1  }
0x94: {  	[sflag:s15] =	ssyncset.done $0x0  }
0x95: {  	[sflag:s15] =	ssyncadd.s32 $0xFFFFFFFF  }
0x96: {  	s16 =	sld [smem:$0x11];
	(tm) =	ssettm $0x1  }
0x97: {  	s17 =	sld [smem:$0x3FFB];
	_ =	sdelay $0x3  }
0x98: {  	_ =	strace s17  }
0x99: {  	s3 =	sld [smem:$0x3FFC];
	_ =	sdelay $0x3  }
0x9a: {  	_ =	strace s3  }
0x9b: {  	s3 =	sld [smem:$0x3FFD];
	_ =	sdelay $0x3  }
0x9c: {  	_ =	strace s3  }
0x9d: {  	_ =	strace $0x8FFFFFFF  }
0x9e: {  	s18 =	sld [smem:$0x3FDB];
	_ =	sdelay $0x1  }
0x9f: {  	s19 =	simm.s32 $_scs_section_size  }
0xa0: {  	s5 =	simm.s32 $_size__tile_overlayer_lowered;
	s6 =	simm.s32 $_tile_overlayer_lowered  }
0xa1: {  	s22 =	simm.s32 $0x1BFF;
	s21 =	sshll.u32 s6, $0x1;
	s3 =	sadd.s32 s19, s18  }
0xa2: {  	s7 =	simm.s32 $0x0;
	s20 =	sshll.u32 s5, $0x1;
	s5 =	sadd.s32 s21, s3  }
0xa3: {  	[timem:s7], [sflag:s22] =	dma.local [hbm:s5], s20  }
0xa4: {  	_ =	swait.ge [sflag:s22], s20  }
0xa5: {  	s4 =	ssub.s32 $0x0, s20;
	[sflag:s22] =	ssyncset.done $0x0  }
0xa6: {  	[sflag:s22] =	ssyncadd.s32 s4;
	_ =	sdelay $0x1  }
0xa7: {  	s23 =	simm.s32 $0x1B8B  }
0xa8: {  	_ =	swait.ge [sflag:s23], $0x1  }
0xa9: {  	[sflag:s23] =	ssyncset.done $0x0  }
0xaa: {  	s25 =	simm.s32 $0x1B8E;
	s24 =	sld [smem:$0x3FFE];
	[sflag:s23] =	ssyncadd.s32 $0xFFFFFFFF  }
0xab: {  	s26 =	simm.s32 $execute0_lowered;
	[smem:$0x3FD2] =	sst s25  }
0xac: {  	s5 =	sshll.u32 s26, $0x1;
	_ =	strace $0x80000046;
	[dreg:$0x1] =	wrdreg $0xFFFFFFFF  }
0xad: {  	s28 =	simm.s32 $_size_execute0_lowered;
	s3 =	sadd.s32 s3, s5;
	[dreg:$0x0] =	wrdreg $0x0  }
0xae: {  	s5 =	sshll.u32 s28, $0x1;
	[dreg:$0x2] =	wrdreg s3  }
0xaf: {  	[dreg:$0x3] =	wrdreg s5  }
0xb0: {  	[dreg:$0x4] =	wrdreg $0xC0  }
0xb1: {  	_ =	task [dreg:s7], $0x5FFFF  }
0xb2: {  	[dreg:$0x1] =	wrdreg $0xFFFFFFFF  }
0xb3: {  	[dreg:$0x0] =	wrdreg $0x60  }
0xb4: {  	[dreg:$0x2] =	wrdreg s24  }
0xb5: {  	[dreg:$0x3] =	wrdreg s16  }
0xb6: {  	[dreg:$0x4] =	wrdreg $0x9  }
0xb7: {  	_ =	task.clear_ibuf [dreg:s7], $0x5FFFF;
	_ =	strace $0x90000046  }
0xb8: {  	s29 =	simm.s32 $0x9;
	_ =	strace $0x80000048  }
0xb9: {  	_ =	swait.ge [sflag:s29], $0x1  }
0xba: {  	[sflag:s29] =	ssyncadd.s32 $0xFFFFFFFF  }
0xbb: {  	_ =	strace $0x90000048  }
0xbc: {  	_ =	sfence  }
0xbd: {  	s30 =	sld [smem:$0x0];
	_ =	sdelay $0x2  }
0xbe: {  	s31 =	sshll.u32 s1, $0xD;
	s1 =	sshrl.u32 s1, $0x2  }
0xbf: {  	s3 =	sand.u32 $0x4000, s31;
	s1 =	sadd.s32 s1, s30  }
0xc0: {  	s0 =	sor.u32 s3, s0;
	s1 =	sshll.u32 s1, $0x11  }
0xc1: {  	s0 =	sor.u32 s1, s0  }
0xc2: {  	s0 =	sadd.s32 $0x8F2B, s0  }
0xc3: {  	[sflag:s0] =	ssyncadd.remote.s32 $0x1  }
0xc4: {  	_ =	sfence.sel $0xFFFF  }
0xc5: {  	[dreg:$0x0] =	wrdreg $0xFFFFFFFF;
	(pc) =	sbr.abs _section_cstart, $3  }
0xc6: {  	[dreg:$0x1] =	wrdreg $0xFFFFFFFF  }
0xc7: {  	_ =	task.clear_ibuf [dreg:s7], $0x2FFFF;
	_ =	strace $0x9FFFFFFF  }
0xc8: {  	(tm) =	ssettm $0x7FFFFFFF  }
0xc9: {  	_ =	shalt  }
tec
execute0_lowered:
.L_overlay_start_1:
0x0: {  	(tag) =	ssettag $0x1  }
0x1: {  	s4 =	rddreg [dreg:$0x0];
	s1 =	srdreg.scid  }
0x2: {  	s0 =	stileid.u32;
	s5 =	rddreg [dreg:$0x1]  }
0x3: {  	s2 =	simm.s32 $0x0;
	s13 =	simm.s32 $0xD400;
	s14 =	simm.s32 $0x1  }
0x4: {  	s15 =	simm.s32 $0x2;
	s16 =	simm.s32 $0x0;
	s8 =	smul.u32 $0x140000, s0  }
0x5: {  	s6 =	sand.u32 $0x1, s1;
	s1 =	rddreg [dreg:$0x2];
	s12 =	smul.u32 $0x28000, s0  }
0x6: {  	s3 =	sshll.u32 s0, $0x1;
	[smem:$0x7FF] =	sst s2;
	s10 =	smul.u32 $0xA0000, s6  }
0x7: {  	s11 =	sadd.s32 $0x20C1000, s4;
	s3 =	sor.u32 s6, s3;
	s29 =	smul.u32 $0x14000, s6  }
0x8: {  	_ =	strace $0x80000047;
	s9 =	ssub.s32 $0x2, s6;
	s7 =	smul.u32 $0x280, s3  }
0x9: {  	s3 =	sadd.s32 $0x81000, s4;
	s28 =	sshrl.u32 s9, $0x1;
	s31 =	sadd.s32 s12, s11  }
0xa: {  	s12 =	simm.s32 $0x9400;
	s9 =	ssub.s32 s9, s28;
	s8 =	sadd.s32 s10, s8  }
0xb: {  	s10 =	simm.s32 $0x1400;
	s4 =	sadd.s32 s5, s7;
	s30 =	sshrl.u32 s8, $0x3  }
0xc: {  	s5 =	smax.u32 s9, $0x1;
	s7 =	sadd.s32 s29, s31;
	s8 =	simm.s32 $0x3  }
0xd: {  	s9 =	simm.s32 $0x80;
	s6 =	sadd.s32 s30, s11;
	s11 =	simm.s32 $0x5400  }
.LBB2_1:
0xe: {  	[tilespmem:s2], [sflag:$0x3] =	stream.linear.gather [hbm4b:s4+s2], $0x1400, $0x38;
	[tilespmem:$0x11400] =	vst v63  }
0xf: {  	_ =	swait.ge [sflag:s8], $0x1400  }
0x10: {  	[sflag:s8] =	ssyncset.done $0x0  }
0x11: {  	[sflag:s8] =	ssyncadd.s32 $0xFFFFEC00  }
0x12: {  	[tilespmem:s10], [sflag:$0x1] =	stream.indirect.gather [hbm4b:s3+s9], $0x80, s2, s9, $0xb8;
	[tilespmem:$0x11400] =	vst v63  }
0x13: {  	s17 =	simm.s32 $0x80  }
0x14: {  	[tilespmem:s11], [sflag:$0x1] =	stream.indirect.gather [hbm4b:s3+s9], $0x80, s17, s9, $0xb8;
	[tilespmem:$0x11400] =	vst v63  }
0x15: {  	s26 =	simm.s32 $0x100  }
0x16: {  	[tilespmem:s12], [sflag:$0x1] =	stream.indirect.gather [hbm4b:s3+s9], $0x80, s26, s9, $0xb8;
	[tilespmem:$0x11400] =	vst v63  }
0x17: {  	s28 =	simm.s32 $0x180  }
0x18: {  	[tilespmem:s13], [sflag:$0x1] =	stream.indirect.gather [hbm4b:s3+s9], $0x80, s28, s9, $0xb8;
	[tilespmem:$0x11400] =	vst v63  }
0x19: {  	_ =	swait.ge [sflag:s14], $0x4000  }
0x1a: {  	[sflag:s14] =	ssyncset.done $0x0  }
0x1b: {  	s29 =	sadd.s32 $0x0, s6;
	[sflag:s14] =	ssyncadd.s32 $0xFFFFC000  }
0x1c: {  	[hbm4b:s29+s2] =	stream.linear.scatter [tilespmem:s10], [sflag:$0x2], $0x4000, $0x38;
	[tilespmem:$0x11400] =	vst v63  }
0x1d: {  	_ =	swait.ge [sflag:s14], $0x4000  }
0x1e: {  	s30 =	sadd.s32 $0x0, s7;
	[sflag:s14] =	ssyncset.done $0x0  }
0x1f: {  	s18 =	sadd.s32 $0x800, s30;
	[sflag:s14] =	ssyncadd.s32 $0xFFFFC000  }
0x20: {  	[hbm4b:s18+s2] =	stream.linear.scatter [tilespmem:s11], [sflag:$0x2], $0x4000, $0x38;
	[tilespmem:$0x11400] =	vst v63  }
0x21: {  	_ =	swait.ge [sflag:s14], $0x4000  }
0x22: {  	[sflag:s14] =	ssyncset.done $0x0  }
0x23: {  	s31 =	sadd.s32 $0x1000, s30;
	[sflag:s14] =	ssyncadd.s32 $0xFFFFC000  }
0x24: {  	[hbm4b:s31+s2] =	stream.linear.scatter [tilespmem:s12], [sflag:$0x2], $0x4000, $0x38;
	[tilespmem:$0x11400] =	vst v63  }
0x25: {  	_ =	swait.ge [sflag:s14], $0x4000  }
0x26: {  	[sflag:s14] =	ssyncset.done $0x0  }
0x27: {  	s17 =	sadd.s32 $0x1800, s30;
	[sflag:s14] =	ssyncadd.s32 $0xFFFFC000  }
0x28: {  	[hbm4b:s17+s2] =	stream.linear.scatter [tilespmem:s13], [sflag:$0x2], $0x4000, $0x38;
	[tilespmem:$0x11400] =	vst v63  }
0x29: {  	_ =	swait.ge [sflag:s15], $0x4000  }
0x2a: {  	[sflag:s15] =	ssyncset.done $0x0  }
0x2b: {  	[sflag:s15] =	ssyncadd.s32 $0xFFFFC000  }
0x2c: {  	_ =	swait.ge [sflag:s15], $0x4000  }
0x2d: {  	[sflag:s15] =	ssyncset.done $0x0  }
0x2e: {  	[sflag:s15] =	ssyncadd.s32 $0xFFFFC000  }
0x2f: {  	_ =	swait.ge [sflag:s15], $0x4000  }
0x30: {  	[sflag:s15] =	ssyncset.done $0x0  }
0x31: {  	[sflag:s15] =	ssyncadd.s32 $0xFFFFC000  }
0x32: {  	_ =	swait.ge [sflag:s15], $0x4000  }
0x33: {  	s18 =	simm.s32 $0x0;
	s17 =	simm.s32 $0x2000;
	[sflag:s15] =	ssyncset.done $0x0  }
.LBB2_2:
0x34: {  	p0 =	sne.s32 s17, $0x12000;
	[sflag:s15] =	ssyncadd.s32 $0xFFFFC000;
	s18 =	sadd.s32 $0x200, s18  }
0x35: {  	[tilespmem:s10], [sflag:$0x1] =	stream.indirect.gather [hbm4b:s3+s9], $0x80, s18, s9, $0xb8;
	[tilespmem:$0x11400] =	vst v63  }
0x36: {  	s20 =	smov.u32 s17;
	s17 =	sadd.s32 $0x2000, s17;
	s19 =	sadd.s32 $0x80, s18  }
0x37: {  	[tilespmem:s11], [sflag:$0x1] =	stream.indirect.gather [hbm4b:s3+s9], $0x80, s19, s9, $0xb8;
	[tilespmem:$0x11400] =	vst v63  }
0x38: {  	s19 =	sadd.s32 $0x100, s18  }
0x39: {  	[tilespmem:s12], [sflag:$0x1] =	stream.indirect.gather [hbm4b:s3+s9], $0x80, s19, s9, $0xb8;
	[tilespmem:$0x11400] =	vst v63  }
0x3a: {  	s19 =	sadd.s32 $0x180, s18  }
0x3b: {  	[tilespmem:s13], [sflag:$0x1] =	stream.indirect.gather [hbm4b:s3+s9], $0x80, s19, s9, $0xb8;
	[tilespmem:$0x11400] =	vst v63  }
0x3c: {  	_ =	swait.ge [sflag:s14], $0x4000  }
0x3d: {  	[sflag:s14] =	ssyncset.done $0x0  }
0x3e: {  	s19 =	sadd.s32 s20, s6;
	[sflag:s14] =	ssyncadd.s32 $0xFFFFC000  }
0x3f: {  	[hbm4b:s19+s2] =	stream.linear.scatter [tilespmem:s10], [sflag:$0x2], $0x4000, $0x38;
	[tilespmem:$0x11400] =	vst v63  }
0x40: {  	_ =	swait.ge [sflag:s14], $0x4000  }
0x41: {  	s19 =	sadd.s32 s20, s7;
	[sflag:s14] =	ssyncset.done $0x0  }
0x42: {  	s20 =	sadd.s32 $0x800, s19;
	[sflag:s14] =	ssyncadd.s32 $0xFFFFC000  }
0x43: {  	[hbm4b:s20+s2] =	stream.linear.scatter [tilespmem:s11], [sflag:$0x2], $0x4000, $0x38;
	[tilespmem:$0x11400] =	vst v63  }
0x44: {  	_ =	swait.ge [sflag:s14], $0x4000  }
0x45: {  	[sflag:s14] =	ssyncset.done $0x0  }
0x46: {  	s20 =	sadd.s32 $0x1000, s19;
	[sflag:s14] =	ssyncadd.s32 $0xFFFFC000  }
0x47: {  	[hbm4b:s20+s2] =	stream.linear.scatter [tilespmem:s12], [sflag:$0x2], $0x4000, $0x38;
	[tilespmem:$0x11400] =	vst v63  }
0x48: {  	_ =	swait.ge [sflag:s14], $0x4000  }
0x49: {  	[sflag:s14] =	ssyncset.done $0x0  }
0x4a: {  	s19 =	sadd.s32 $0x1800, s19;
	[sflag:s14] =	ssyncadd.s32 $0xFFFFC000  }
0x4b: {  	[hbm4b:s19+s2] =	stream.linear.scatter [tilespmem:s13], [sflag:$0x2], $0x4000, $0x38;
	[tilespmem:$0x11400] =	vst v63  }
0x4c: {  	_ =	swait.ge [sflag:s15], $0x4000  }
0x4d: {  	[sflag:s15] =	ssyncset.done $0x0  }
0x4e: {  	[sflag:s15] =	ssyncadd.s32 $0xFFFFC000  }
0x4f: {  	_ =	swait.ge [sflag:s15], $0x4000  }
0x50: {  	[sflag:s15] =	ssyncset.done $0x0  }
0x51: {  	[sflag:s15] =	ssyncadd.s32 $0xFFFFC000  }
.Ltmp0:
0x52: {  	_ =	swait.ge [sflag:s15], $0x4000;
	(pc) =	sbr.rel @p0 .LBB2_2-.Ltmp0, $4  }
0x53: {  	[sflag:s15] =	ssyncset.done $0x0  }
0x54: {  	[sflag:s15] =	ssyncadd.s32 $0xFFFFC000  }
0x55: {  	_ =	swait.ge [sflag:s15], $0x4000  }
0x56: {  	[sflag:s15] =	ssyncset.done $0x0  }
0x57: {  	s16 =	sadd.s32 $0x1, s16  }
0x58: {  	p0 =	sne.s32 s16, s5  }
.Ltmp1:
0x59: {  	_ = 	snop;
	(pc) =	sbr.rel @p0 .LBB2_1-.Ltmp1, $2  }
0x5a: {  	_ =	sdelay $0x2  }
0x5b: {  	[sflag:s15] =	ssyncadd.s32 $0xFFFFC000  }
0x5c: {  	_ =	sfence.sel $0x180000  }
0x5d: {  	[bflag:$0x0] =	sbarrier.arrive $0xFFFF  }
0x5e: {  	p0 =	sne.s32 s0, $0x0;
	_ =	strace $0x90000047  }
0x5f: {  	s0 =	sadd.s32 @!p0 $0x100000, s1;
	[bflag:$0x2] =	sbarrier.arrive $0xFFFF  }
0x60: {  	[sflag:s0] =	ssyncadd.tile.s32 @!p0 $0x1;
	_ =	shalt  }
.Lfunc_end2:
_tile_overlayer_lowered:
.L_overlay_start_2:
0x61: {  	(tag) =	ssettag $0x2  }
0x62: {  	s0 =	rddreg [dreg:$0x0];
	s2 =	stileid.u32  }
0x63: {  	s1 =	rddreg [dreg:$0x1];
	p0 =	sne.s32 s2, $0x0  }
0x64: {  	s3 =	rddreg [dreg:$0x2];
	[bflag:$0x3] =	sbarrier.arrive $0xFFFF;
	s2 =	simm.s32 @!p0 $0x1C03  }
0x65: {  	[timem:s3], [sflag:s2] =	dma.local @!p0 [hbm:s0], s1  }
0x66: {  	s0 =	simm.s32 @!p0 $0x3  }
0x67: {  	_ =	swait.ge @!p0 [sflag:s0], s1  }
0x68: {  	s1 =	ssub.s32 @!p0 $0x0, s1;
	[sflag:s0] =	ssyncset.done @!p0 $0x0  }
0x69: {  	[sflag:s0] =	ssyncadd.s32 @!p0 s1  }
0x6a: {  	[bflag:$0x3] =	sbarrier.arrive $0xFFFF  }
0x6b: {  	_ =	shalt  }

</sc_bundles>
